<compile_context>
chip_gen: v7x
topology: tpu7x:2x2x1
jax: 0.10.2.dev20260603
libtpu: 0.0.44.dev20260713+nightly
codegen_flags: <defaults>
</compile_context>

<pallas_src>
import functools

import jax
import jax.numpy as jnp
from jax import lax
from jax.experimental import pallas as pl
from jax.experimental.pallas import tpu as pltpu
from jax.experimental.pallas import tpu_sc as plsc

EMBED_DIM = 32
NUM_CORES = 2
NUM_SUBCORES = 16
NUM_WORKERS = NUM_CORES * NUM_SUBCORES
CHUNK = 832
NUM_SLOTS = 4


def _make_gather(total_b):
    assert total_b % (NUM_WORKERS * CHUNK) == 0
    b_per_w = total_b // NUM_WORKERS
    n_chunks = b_per_w // CHUNK
    assert n_chunks >= NUM_SLOTS
    mesh = plsc.VectorSubcoreMesh(
        core_axis_name="c", subcore_axis_name="s",
        num_cores=NUM_CORES, num_subcores=NUM_SUBCORES)

    @functools.partial(
        pl.kernel,
        mesh=mesh,
        compiler_params=pltpu.CompilerParams(use_tc_tiling_on_sc=False),
        out_type=jax.ShapeDtypeStruct((total_b, EMBED_DIM), jnp.float32),
        scratch_types=[
            pltpu.VMEM((b_per_w,), jnp.int32),
            pltpu.VMEM((NUM_SLOTS, CHUNK, EMBED_DIM), jnp.float32),
            pltpu.SemaphoreType.DMA,
            pltpu.SemaphoreType.DMA,
            pltpu.SemaphoreType.DMA,
            pltpu.SemaphoreType.DMA,
            pltpu.SemaphoreType.DMA,
        ],
    )
    def gather_kernel(ids_hbm, table_hbm, out_hbm, idx_v, rows_v,
                      sem_g0, sem_g1, sem_g2, sem_g3, sem_o):
        wid = lax.axis_index("s") * NUM_CORES + lax.axis_index("c")
        base = wid * b_per_w
        sems = (sem_g0, sem_g1, sem_g2, sem_g3)

        pltpu.sync_copy(ids_hbm.at[wid], idx_v)

        def gather_copy(i):
            s = i % NUM_SLOTS
            return pltpu.make_async_copy(
                table_hbm.at[idx_v.at[pl.ds(i * CHUNK, CHUNK)]],
                rows_v.at[s], sems[s])

        def out_copy(i):
            s = i % NUM_SLOTS
            return pltpu.make_async_copy(
                rows_v.at[s],
                out_hbm.at[pl.ds(base + i * CHUNK, CHUNK)],
                sem_o)

        for i in range(NUM_SLOTS - 1):
            gather_copy(i).start()
        for i in range(n_chunks):
            gather_copy(i).wait()
            out_copy(i).start()
            j = i + NUM_SLOTS - 1
            if j < n_chunks:
                if i >= 1:
                    out_copy(i - 1).wait()
                gather_copy(j).start()
        for k in range(max(0, n_chunks - NUM_SLOTS), n_chunks):
            out_copy(k).wait()

    return gather_kernel


def kernel(inputs, table):
    flat_ids = inputs.reshape(-1).astype(jnp.int32)
    total_b = flat_ids.shape[0]
    ids2 = flat_ids.reshape(NUM_WORKERS, total_b // NUM_WORKERS)
    flat_out = _make_gather(total_b)(ids2, table)
    return flat_out.reshape(inputs.shape + (EMBED_DIM,))

# --- scband reference (transcript-rebuilt; emitter-appended) ---
"""Pipeline reference for scband-dynamic-embedding-v2-83494164234743 (READ-ONLY COPY).

The authoritative reference and input builder live on the scoring server;
editing this copy changes nothing except your own understanding.
"""

import jax, jax.numpy as jnp
import numpy as np

VOCAB = 1000000
EMBED_DIM = 32
BATCH = 16384
FIELDS = 26

def setup_inputs(seed: int = 0) -> dict:
    key = jax.random.key(seed)
    k_ids, k_tbl = jax.random.split(key)
    inputs = jax.random.randint(k_ids, (BATCH, FIELDS), 0, VOCAB, dtype=jnp.int64)
    # Dynamic embedding table materialized as a dense [VOCAB, EMBED_DIM] param,
    # uniform initializer like tf.keras.initializers.get('uniform') (~U[-0.05, 0.05])
    table = jax.random.uniform(k_tbl, (VOCAB, EMBED_DIM), dtype=jnp.float32, minval=-0.05, maxval=0.05)
    return {"inputs": inputs, "table": table}

def reference(inputs, table):
    # tfra.dynamic_embedding.embedding_lookup_unique: flatten ids, take unique ids,
    # lookup unique rows, then gather back to original positions.
    flat_ids = inputs.reshape(-1)
    unique_ids, inverse = jnp.unique(flat_ids, return_inverse=True, size=flat_ids.shape[0], fill_value=0)
    unique_embs = jnp.take(table, unique_ids, axis=0)
    flat_out = jnp.take(unique_embs, inverse.reshape(-1), axis=0)
    out = flat_out.reshape(inputs.shape + (EMBED_DIM,))
    return out

if __name__ == "__main__":
    import jax
    _d = setup_inputs()
    print(jax.jit(kernel)(*tuple(_d.values())))

</pallas_src>

<mosaic_0001>
#map = affine_map<(d0, d1) -> (0, 0)>
module attributes {stable_mosaic.version = 14 : i64} {
  func.func @gather_kernel(%arg0: i32, %arg1: i32, %arg2: memref<32x13312xi32, #tpu.memory_space<hbm>>, %arg3: memref<1000000x32xf32, #tpu.memory_space<hbm>>, %arg4: memref<425984x32xf32, #tpu.memory_space<hbm>>, %arg5: memref<13312xi32, #tpu.memory_space<vmem>>, %arg6: memref<4x832x32xf32, #tpu.memory_space<vmem>>, %arg7: memref<!tpu.dma_semaphore, #tpu.memory_space<semaphore_mem>>, %arg8: memref<!tpu.dma_semaphore, #tpu.memory_space<semaphore_mem>>, %arg9: memref<!tpu.dma_semaphore, #tpu.memory_space<semaphore_mem>>, %arg10: memref<!tpu.dma_semaphore, #tpu.memory_space<semaphore_mem>>, %arg11: memref<!tpu.dma_semaphore, #tpu.memory_space<semaphore_mem>>) attributes {dimension_semantics = [#tpu.dimension_semantics<core_parallel>, #tpu.dimension_semantics<subcore_parallel>], iteration_bounds = array<i64: 2, 16>, scalar_prefetch = 0 : i64, scratch_operands = 7 : i64, tpu.core_type = #tpu.core_type<sc_vector_subcore>, window_params = [{transform_indices = #map}, {transform_indices = #map}, {transform_indices = #map}]} {
    %mul3A = arith.constant 2 : i32
    %mul3A_0 = arith.muli %arg1, %mul3A : i32
    %add3A = arith.addi %mul3A_0, %arg0 : i32
    %mul3A_1 = arith.constant 13312 : i32
    %mul3A_2 = arith.muli %add3A, %mul3A_1 : i32
    "tpu.region"() ({
      %run_scoped3A = tpu.sem_alloc : memref<!tpu.dma_semaphore, #tpu.memory_space<semaphore_mem>>
      %dma_start3A_801 = arith.constant 0 : i32
      %dma_start3A_802 = tpu.memref_slice %arg2[%add3A, %dma_start3A_801] : memref<32x13312xi32, #tpu.memory_space<hbm>> -> memref<1x13312xi32, #tpu.memory_space<hbm>>
      %dma_start3A_803 = tpu.memref_squeeze %dma_start3A_802 : memref<1x13312xi32, #tpu.memory_space<hbm>> -> memref<13312xi32, #tpu.memory_space<hbm>>
      %dma_start3A_804 = arith.constant 0 : i32
      %dma_start3A_805 = tpu.memref_slice %arg2[%add3A, %dma_start3A_804] : memref<32x13312xi32, #tpu.memory_space<hbm>> -> memref<1x13312xi32, #tpu.memory_space<hbm>>
      %dma_start3A_806 = tpu.memref_squeeze %dma_start3A_805 : memref<1x13312xi32, #tpu.memory_space<hbm>> -> memref<13312xi32, #tpu.memory_space<hbm>>
      tpu.enqueue_dma source(%dma_start3A_806 : memref<13312xi32, #tpu.memory_space<hbm>>) target(%arg5 : memref<13312xi32, #tpu.memory_space<vmem>>) target_semaphore(%run_scoped3A : memref<!tpu.dma_semaphore, #tpu.memory_space<semaphore_mem>>)
      %dma_wait3A_807 = arith.constant 0 : i32
      %dma_wait3A_808 = tpu.memref_slice %arg2[%add3A, %dma_wait3A_807] : memref<32x13312xi32, #tpu.memory_space<hbm>> -> memref<1x13312xi32, #tpu.memory_space<hbm>>
      %dma_wait3A_809 = tpu.memref_squeeze %dma_wait3A_808 : memref<1x13312xi32, #tpu.memory_space<hbm>> -> memref<13312xi32, #tpu.memory_space<hbm>>
      %dma_wait3A_810 = arith.constant 0 : i32
      %dma_wait3A_811 = tpu.memref_slice %arg2[%add3A, %dma_wait3A_810] : memref<32x13312xi32, #tpu.memory_space<hbm>> -> memref<1x13312xi32, #tpu.memory_space<hbm>>
      %dma_wait3A_812 = tpu.memref_squeeze %dma_wait3A_811 : memref<1x13312xi32, #tpu.memory_space<hbm>> -> memref<13312xi32, #tpu.memory_space<hbm>>
      tpu.wait_dma2 semaphore(%run_scoped3A : memref<!tpu.dma_semaphore, #tpu.memory_space<semaphore_mem>>) src(%dma_wait3A_812 : memref<13312xi32, #tpu.memory_space<hbm>>) dst(%arg5 : memref<13312xi32, #tpu.memory_space<vmem>>)
      tpu.yield
    }) : () -> ()
    %dma_start3A = arith.constant 0 : i32
    %dma_start3A_3 = arith.constant 0 : i32
    %dma_start3A_4 = arith.constant 0 : i32
    %dma_start3A_5 = tpu.memref_slice %arg6[%dma_start3A, %dma_start3A_3, %dma_start3A_4] : memref<4x832x32xf32, #tpu.memory_space<vmem>> -> memref<1x832x32xf32, #tpu.memory_space<vmem>>
    %dma_start3A_6 = tpu.memref_squeeze %dma_start3A_5 : memref<1x832x32xf32, #tpu.memory_space<vmem>> -> memref<832x32xf32, #tpu.memory_space<vmem>>
    %dma_start3A_7 = arith.constant 0 : i32
    %dma_start3A_8 = tpu.memref_slice %arg5[%dma_start3A_7] : memref<13312xi32, #tpu.memory_space<vmem>> -> memref<832xi32, #tpu.memory_space<vmem>>
    %dma_start3A_9 = arith.constant 0 : i32
    %dma_start3A_10 = arith.constant 0 : i32
    %dma_start3A_11 = tpu.memref_slice %arg3[%dma_start3A_9, %dma_start3A_10] : memref<1000000x32xf32, #tpu.memory_space<hbm>> -> memref<1000000x32xf32, #tpu.memory_space<hbm>>
    tpu.enqueue_indirect_dma source(%dma_start3A_11 : memref<1000000x32xf32, #tpu.memory_space<hbm>>) target(%dma_start3A_6 : memref<832x32xf32, #tpu.memory_space<vmem>>) offsets(%dma_start3A_8 : memref<832xi32, #tpu.memory_space<vmem>>) semaphore(%arg7 : memref<!tpu.dma_semaphore, #tpu.memory_space<semaphore_mem>>)
    %dma_start3A_12 = arith.constant 1 : i32
    %dma_start3A_13 = arith.constant 0 : i32
    %dma_start3A_14 = arith.constant 0 : i32
    %dma_start3A_15 = tpu.memref_slice %arg6[%dma_start3A_12, %dma_start3A_13, %dma_start3A_14] : memref<4x832x32xf32, #tpu.memory_space<vmem>> -> memref<1x832x32xf32, #tpu.memory_space<vmem>>
    %dma_start3A_16 = tpu.memref_squeeze %dma_start3A_15 : memref<1x832x32xf32, #tpu.memory_space<vmem>> -> memref<832x32xf32, #tpu.memory_space<vmem>>
    %dma_start3A_17 = arith.constant 832 : i32
    %dma_start3A_18 = tpu.memref_slice %arg5[%dma_start3A_17] : memref<13312xi32, #tpu.memory_space<vmem>> -> memref<832xi32, #tpu.memory_space<vmem>>
    %dma_start3A_19 = arith.constant 0 : i32
    %dma_start3A_20 = arith.constant 0 : i32
    %dma_start3A_21 = tpu.memref_slice %arg3[%dma_start3A_19, %dma_start3A_20] : memref<1000000x32xf32, #tpu.memory_space<hbm>> -> memref<1000000x32xf32, #tpu.memory_space<hbm>>
    tpu.enqueue_indirect_dma source(%dma_start3A_21 : memref<1000000x32xf32, #tpu.memory_space<hbm>>) target(%dma_start3A_16 : memref<832x32xf32, #tpu.memory_space<vmem>>) offsets(%dma_start3A_18 : memref<832xi32, #tpu.memory_space<vmem>>) semaphore(%arg8 : memref<!tpu.dma_semaphore, #tpu.memory_space<semaphore_mem>>)
    %dma_start3A_22 = arith.constant 2 : i32
    %dma_start3A_23 = arith.constant 0 : i32
    %dma_start3A_24 = arith.constant 0 : i32
    %dma_start3A_25 = tpu.memref_slice %arg6[%dma_start3A_22, %dma_start3A_23, %dma_start3A_24] : memref<4x832x32xf32, #tpu.memory_space<vmem>> -> memref<1x832x32xf32, #tpu.memory_space<vmem>>
    %dma_start3A_26 = tpu.memref_squeeze %dma_start3A_25 : memref<1x832x32xf32, #tpu.memory_space<vmem>> -> memref<832x32xf32, #tpu.memory_space<vmem>>
    %dma_start3A_27 = arith.constant 1664 : i32
    %dma_start3A_28 = tpu.memref_slice %arg5[%dma_start3A_27] : memref<13312xi32, #tpu.memory_space<vmem>> -> memref<832xi32, #tpu.memory_space<vmem>>
    %dma_start3A_29 = arith.constant 0 : i32
    %dma_start3A_30 = arith.constant 0 : i32
    %dma_start3A_31 = tpu.memref_slice %arg3[%dma_start3A_29, %dma_start3A_30] : memref<1000000x32xf32, #tpu.memory_space<hbm>> -> memref<1000000x32xf32, #tpu.memory_space<hbm>>
    tpu.enqueue_indirect_dma source(%dma_start3A_31 : memref<1000000x32xf32, #tpu.memory_space<hbm>>) target(%dma_start3A_26 : memref<832x32xf32, #tpu.memory_space<vmem>>) offsets(%dma_start3A_28 : memref<832xi32, #tpu.memory_space<vmem>>) semaphore(%arg9 : memref<!tpu.dma_semaphore, #tpu.memory_space<semaphore_mem>>)
    %dma_wait3A = arith.constant 0 : i32
    %dma_wait3A_32 = arith.constant 0 : i32
    %dma_wait3A_33 = arith.constant 0 : i32
    %dma_wait3A_34 = tpu.memref_slice %arg6[%dma_wait3A, %dma_wait3A_32, %dma_wait3A_33] : memref<4x832x32xf32, #tpu.memory_space<vmem>> -> memref<1x832x32xf32, #tpu.memory_space<vmem>>
    %dma_wait3A_35 = tpu.memref_squeeze %dma_wait3A_34 : memref<1x832x32xf32, #tpu.memory_space<vmem>> -> memref<832x32xf32, #tpu.memory_space<vmem>>
    %dma_wait3A_36 = arith.constant 0 : i32
    %dma_wait3A_37 = tpu.memref_slice %arg5[%dma_wait3A_36] : memref<13312xi32, #tpu.memory_space<vmem>> -> memref<832xi32, #tpu.memory_space<vmem>>
    %dma_wait3A_38 = arith.constant 0 : i32
    %dma_wait3A_39 = arith.constant 0 : i32
    %dma_wait3A_40 = tpu.memref_slice %arg3[%dma_wait3A_38, %dma_wait3A_39] : memref<1000000x32xf32, #tpu.memory_space<hbm>> -> memref<1000000x32xf32, #tpu.memory_space<hbm>>
    tpu.wait_indirect_dma semaphore(%arg7 : memref<!tpu.dma_semaphore, #tpu.memory_space<semaphore_mem>>) src(%dma_wait3A_40 : memref<1000000x32xf32, #tpu.memory_space<hbm>>) dst(%dma_wait3A_35 : memref<832x32xf32, #tpu.memory_space<vmem>>)
    %add3A_41 = arith.constant 0 : i32
    %add3A_42 = arith.addi %mul3A_2, %add3A_41 : i32
    %dma_start3A_43 = arith.constant 0 : i32
    %dma_start3A_44 = arith.constant 0 : i32
    %dma_start3A_45 = arith.constant 0 : i32
    %dma_start3A_46 = tpu.memref_slice %arg6[%dma_start3A_43, %dma_start3A_44, %dma_start3A_45] : memref<4x832x32xf32, #tpu.memory_space<vmem>> -> memref<1x832x32xf32, #tpu.memory_space<vmem>>
    %dma_start3A_47 = tpu.memref_squeeze %dma_start3A_46 : memref<1x832x32xf32, #tpu.memory_space<vmem>> -> memref<832x32xf32, #tpu.memory_space<vmem>>
    %dma_start3A_48 = arith.constant 0 : i32
    %dma_start3A_49 = tpu.memref_slice %arg4[%add3A_42, %dma_start3A_48] : memref<425984x32xf32, #tpu.memory_space<hbm>> -> memref<832x32xf32, #tpu.memory_space<hbm>>
    %dma_start3A_50 = arith.constant 0 : i32
    %dma_start3A_51 = tpu.memref_slice %arg4[%add3A_42, %dma_start3A_50] : memref<425984x32xf32, #tpu.memory_space<hbm>> -> memref<832x32xf32, #tpu.memory_space<hbm>>
    %dma_start3A_52 = arith.constant 0 : i32
    %dma_start3A_53 = arith.constant 0 : i32
    %dma_start3A_54 = tpu.memref_slice %arg6[%dma_start3A_43, %dma_start3A_52, %dma_start3A_53] : memref<4x832x32xf32, #tpu.memory_space<vmem>> -> memref<1x832x32xf32, #tpu.memory_space<vmem>>
    %dma_start3A_55 = tpu.memref_squeeze %dma_start3A_54 : memref<1x832x32xf32, #tpu.memory_space<vmem>> -> memref<832x32xf32, #tpu.memory_space<vmem>>
    tpu.enqueue_dma source(%dma_start3A_55 : memref<832x32xf32, #tpu.memory_space<vmem>>) target(%dma_start3A_51 : memref<832x32xf32, #tpu.memory_space<hbm>>) target_semaphore(%arg11 : memref<!tpu.dma_semaphore, #tpu.memory_space<semaphore_mem>>)
    %dma_start3A_56 = arith.constant 3 : i32
    %dma_start3A_57 = arith.constant 0 : i32
    %dma_start3A_58 = arith.constant 0 : i32
    %dma_start3A_59 = tpu.memref_slice %arg6[%dma_start3A_56, %dma_start3A_57, %dma_start3A_58] : memref<4x832x32xf32, #tpu.memory_space<vmem>> -> memref<1x832x32xf32, #tpu.memory_space<vmem>>
    %dma_start3A_60 = tpu.memref_squeeze %dma_start3A_59 : memref<1x832x32xf32, #tpu.memory_space<vmem>> -> memref<832x32xf32, #tpu.memory_space<vmem>>
    %dma_start3A_61 = arith.constant 2496 : i32
    %dma_start3A_62 = tpu.memref_slice %arg5[%dma_start3A_61] : memref<13312xi32, #tpu.memory_space<vmem>> -> memref<832xi32, #tpu.memory_space<vmem>>
    %dma_start3A_63 = arith.constant 0 : i32
    %dma_start3A_64 = arith.constant 0 : i32
    %dma_start3A_65 = tpu.memref_slice %arg3[%dma_start3A_63, %dma_start3A_64] : memref<1000000x32xf32, #tpu.memory_space<hbm>> -> memref<1000000x32xf32, #tpu.memory_space<hbm>>
    tpu.enqueue_indirect_dma source(%dma_start3A_65 : memref<1000000x32xf32, #tpu.memory_space<hbm>>) target(%dma_start3A_60 : memref<832x32xf32, #tpu.memory_space<vmem>>) offsets(%dma_start3A_62 : memref<832xi32, #tpu.memory_space<vmem>>) semaphore(%arg10 : memref<!tpu.dma_semaphore, #tpu.memory_space<semaphore_mem>>)
    %dma_wait3A_66 = arith.constant 1 : i32
    %dma_wait3A_67 = arith.constant 0 : i32
    %dma_wait3A_68 = arith.constant 0 : i32
    %dma_wait3A_69 = tpu.memref_slice %arg6[%dma_wait3A_66, %dma_wait3A_67, %dma_wait3A_68] : memref<4x832x32xf32, #tpu.memory_space<vmem>> -> memref<1x832x32xf32, #tpu.memory_space<vmem>>
    %dma_wait3A_70 = tpu.memref_squeeze %dma_wait3A_69 : memref<1x832x32xf32, #tpu.memory_space<vmem>> -> memref<832x32xf32, #tpu.memory_space<vmem>>
    %dma_wait3A_71 = arith.constant 832 : i32
    %dma_wait3A_72 = tpu.memref_slice %arg5[%dma_wait3A_71] : memref<13312xi32, #tpu.memory_space<vmem>> -> memref<832xi32, #tpu.memory_space<vmem>>
    %dma_wait3A_73 = arith.constant 0 : i32
    %dma_wait3A_74 = arith.constant 0 : i32
    %dma_wait3A_75 = tpu.memref_slice %arg3[%dma_wait3A_73, %dma_wait3A_74] : memref<1000000x32xf32, #tpu.memory_space<hbm>> -> memref<1000000x32xf32, #tpu.memory_space<hbm>>
    tpu.wait_indirect_dma semaphore(%arg8 : memref<!tpu.dma_semaphore, #tpu.memory_space<semaphore_mem>>) src(%dma_wait3A_75 : memref<1000000x32xf32, #tpu.memory_space<hbm>>) dst(%dma_wait3A_70 : memref<832x32xf32, #tpu.memory_space<vmem>>)
    %add3A_76 = arith.constant 832 : i32
    %add3A_77 = arith.addi %mul3A_2, %add3A_76 : i32
    %dma_start3A_78 = arith.constant 1 : i32
    %dma_start3A_79 = arith.constant 0 : i32
    %dma_start3A_80 = arith.constant 0 : i32
    %dma_start3A_81 = tpu.memref_slice %arg6[%dma_start3A_78, %dma_start3A_79, %dma_start3A_80] : memref<4x832x32xf32, #tpu.memory_space<vmem>> -> memref<1x832x32xf32, #tpu.memory_space<vmem>>
    %dma_start3A_82 = tpu.memref_squeeze %dma_start3A_81 : memref<1x832x32xf32, #tpu.memory_space<vmem>> -> memref<832x32xf32, #tpu.memory_space<vmem>>
    %dma_start3A_83 = arith.constant 0 : i32
    %dma_start3A_84 = tpu.memref_slice %arg4[%add3A_77, %dma_start3A_83] : memref<425984x32xf32, #tpu.memory_space<hbm>> -> memref<832x32xf32, #tpu.memory_space<hbm>>
    %dma_start3A_85 = arith.constant 0 : i32
    %dma_start3A_86 = tpu.memref_slice %arg4[%add3A_77, %dma_start3A_85] : memref<425984x32xf32, #tpu.memory_space<hbm>> -> memref<832x32xf32, #tpu.memory_space<hbm>>
    %dma_start3A_87 = arith.constant 0 : i32
    %dma_start3A_88 = arith.constant 0 : i32
    %dma_start3A_89 = tpu.memref_slice %arg6[%dma_start3A_78, %dma_start3A_87, %dma_start3A_88] : memref<4x832x32xf32, #tpu.memory_space<vmem>> -> memref<1x832x32xf32, #tpu.memory_space<vmem>>
    %dma_start3A_90 = tpu.memref_squeeze %dma_start3A_89 : memref<1x832x32xf32, #tpu.memory_space<vmem>> -> memref<832x32xf32, #tpu.memory_space<vmem>>
    tpu.enqueue_dma source(%dma_start3A_90 : memref<832x32xf32, #tpu.memory_space<vmem>>) target(%dma_start3A_86 : memref<832x32xf32, #tpu.memory_space<hbm>>) target_semaphore(%arg11 : memref<!tpu.dma_semaphore, #tpu.memory_space<semaphore_mem>>)
    %add3A_91 = arith.constant 0 : i32
    %add3A_92 = arith.addi %mul3A_2, %add3A_91 : i32
    %dma_wait3A_93 = arith.constant 0 : i32
    %dma_wait3A_94 = arith.constant 0 : i32
    %dma_wait3A_95 = arith.constant 0 : i32
    %dma_wait3A_96 = tpu.memref_slice %arg6[%dma_wait3A_93, %dma_wait3A_94, %dma_wait3A_95] : memref<4x832x32xf32, #tpu.memory_space<vmem>> -> memref<1x832x32xf32, #tpu.memory_space<vmem>>
    %dma_wait3A_97 = tpu.memref_squeeze %dma_wait3A_96 : memref<1x832x32xf32, #tpu.memory_space<vmem>> -> memref<832x32xf32, #tpu.memory_space<vmem>>
    %dma_wait3A_98 = arith.constant 0 : i32
    %dma_wait3A_99 = tpu.memref_slice %arg4[%add3A_92, %dma_wait3A_98] : memref<425984x32xf32, #tpu.memory_space<hbm>> -> memref<832x32xf32, #tpu.memory_space<hbm>>
    %dma_wait3A_100 = arith.constant 0 : i32
    %dma_wait3A_101 = tpu.memref_slice %arg4[%add3A_92, %dma_wait3A_100] : memref<425984x32xf32, #tpu.memory_space<hbm>> -> memref<832x32xf32, #tpu.memory_space<hbm>>
    %dma_wait3A_102 = arith.constant 0 : i32
    %dma_wait3A_103 = arith.constant 0 : i32
    %dma_wait3A_104 = tpu.memref_slice %arg6[%dma_wait3A_93, %dma_wait3A_102, %dma_wait3A_103] : memref<4x832x32xf32, #tpu.memory_space<vmem>> -> memref<1x832x32xf32, #tpu.memory_space<vmem>>
    %dma_wait3A_105 = tpu.memref_squeeze %dma_wait3A_104 : memref<1x832x32xf32, #tpu.memory_space<vmem>> -> memref<832x32xf32, #tpu.memory_space<vmem>>
    tpu.wait_dma2 semaphore(%arg11 : memref<!tpu.dma_semaphore, #tpu.memory_space<semaphore_mem>>) src(%dma_wait3A_105 : memref<832x32xf32, #tpu.memory_space<vmem>>) dst(%dma_wait3A_101 : memref<832x32xf32, #tpu.memory_space<hbm>>)
    %dma_start3A_106 = arith.constant 0 : i32
    %dma_start3A_107 = arith.constant 0 : i32
    %dma_start3A_108 = arith.constant 0 : i32
    %dma_start3A_109 = tpu.memref_slice %arg6[%dma_start3A_106, %dma_start3A_107, %dma_start3A_108] : memref<4x832x32xf32, #tpu.memory_space<vmem>> -> memref<1x832x32xf32, #tpu.memory_space<vmem>>
    %dma_start3A_110 = tpu.memref_squeeze %dma_start3A_109 : memref<1x832x32xf32, #tpu.memory_space<vmem>> -> memref<832x32xf32, #tpu.memory_space<vmem>>
    %dma_start3A_111 = arith.constant 3328 : i32
    %dma_start3A_112 = tpu.memref_slice %arg5[%dma_start3A_111] : memref<13312xi32, #tpu.memory_space<vmem>> -> memref<832xi32, #tpu.memory_space<vmem>>
    %dma_start3A_113 = arith.constant 0 : i32
    %dma_start3A_114 = arith.constant 0 : i32
    %dma_start3A_115 = tpu.memref_slice %arg3[%dma_start3A_113, %dma_start3A_114] : memref<1000000x32xf32, #tpu.memory_space<hbm>> -> memref<1000000x32xf32, #tpu.memory_space<hbm>>
    tpu.enqueue_indirect_dma source(%dma_start3A_115 : memref<1000000x32xf32, #tpu.memory_space<hbm>>) target(%dma_start3A_110 : memref<832x32xf32, #tpu.memory_space<vmem>>) offsets(%dma_start3A_112 : memref<832xi32, #tpu.memory_space<vmem>>) semaphore(%arg7 : memref<!tpu.dma_semaphore, #tpu.memory_space<semaphore_mem>>)
    %dma_wait3A_116 = arith.constant 2 : i32
    %dma_wait3A_117 = arith.constant 0 : i32
    %dma_wait3A_118 = arith.constant 0 : i32
    %dma_wait3A_119 = tpu.memref_slice %arg6[%dma_wait3A_116, %dma_wait3A_117, %dma_wait3A_118] : memref<4x832x32xf32, #tpu.memory_space<vmem>> -> memref<1x832x32xf32, #tpu.memory_space<vmem>>
    %dma_wait3A_120 = tpu.memref_squeeze %dma_wait3A_119 : memref<1x832x32xf32, #tpu.memory_space<vmem>> -> memref<832x32xf32, #tpu.memory_space<vmem>>
    %dma_wait3A_121 = arith.constant 1664 : i32
    %dma_wait3A_122 = tpu.memref_slice %arg5[%dma_wait3A_121] : memref<13312xi32, #tpu.memory_space<vmem>> -> memref<832xi32, #tpu.memory_space<vmem>>
    %dma_wait3A_123 = arith.constant 0 : i32
    %dma_wait3A_124 = arith.constant 0 : i32
    %dma_wait3A_125 = tpu.memref_slice %arg3[%dma_wait3A_123, %dma_wait3A_124] : memref<1000000x32xf32, #tpu.memory_space<hbm>> -> memref<1000000x32xf32, #tpu.memory_space<hbm>>
    tpu.wait_indirect_dma semaphore(%arg9 : memref<!tpu.dma_semaphore, #tpu.memory_space<semaphore_mem>>) src(%dma_wait3A_125 : memref<1000000x32xf32, #tpu.memory_space<hbm>>) dst(%dma_wait3A_120 : memref<832x32xf32, #tpu.memory_space<vmem>>)
    %add3A_126 = arith.constant 1664 : i32
    %add3A_127 = arith.addi %mul3A_2, %add3A_126 : i32
    %dma_start3A_128 = arith.constant 2 : i32
    %dma_start3A_129 = arith.constant 0 : i32
    %dma_start3A_130 = arith.constant 0 : i32
    %dma_start3A_131 = tpu.memref_slice %arg6[%dma_start3A_128, %dma_start3A_129, %dma_start3A_130] : memref<4x832x32xf32, #tpu.memory_space<vmem>> -> memref<1x832x32xf32, #tpu.memory_space<vmem>>
    %dma_start3A_132 = tpu.memref_squeeze %dma_start3A_131 : memref<1x832x32xf32, #tpu.memory_space<vmem>> -> memref<832x32xf32, #tpu.memory_space<vmem>>
    %dma_start3A_133 = arith.constant 0 : i32
    %dma_start3A_134 = tpu.memref_slice %arg4[%add3A_127, %dma_start3A_133] : memref<425984x32xf32, #tpu.memory_space<hbm>> -> memref<832x32xf32, #tpu.memory_space<hbm>>
    %dma_start3A_135 = arith.constant 0 : i32
    %dma_start3A_136 = tpu.memref_slice %arg4[%add3A_127, %dma_start3A_135] : memref<425984x32xf32, #tpu.memory_space<hbm>> -> memref<832x32xf32, #tpu.memory_space<hbm>>
    %dma_start3A_137 = arith.constant 0 : i32
    %dma_start3A_138 = arith.constant 0 : i32
    %dma_start3A_139 = tpu.memref_slice %arg6[%dma_start3A_128, %dma_start3A_137, %dma_start3A_138] : memref<4x832x32xf32, #tpu.memory_space<vmem>> -> memref<1x832x32xf32, #tpu.memory_space<vmem>>
    %dma_start3A_140 = tpu.memref_squeeze %dma_start3A_139 : memref<1x832x32xf32, #tpu.memory_space<vmem>> -> memref<832x32xf32, #tpu.memory_space<vmem>>
    tpu.enqueue_dma source(%dma_start3A_140 : memref<832x32xf32, #tpu.memory_space<vmem>>) target(%dma_start3A_136 : memref<832x32xf32, #tpu.memory_space<hbm>>) target_semaphore(%arg11 : memref<!tpu.dma_semaphore, #tpu.memory_space<semaphore_mem>>)
    %add3A_141 = arith.constant 832 : i32
    %add3A_142 = arith.addi %mul3A_2, %add3A_141 : i32
    %dma_wait3A_143 = arith.constant 1 : i32
    %dma_wait3A_144 = arith.constant 0 : i32
    %dma_wait3A_145 = arith.constant 0 : i32
    %dma_wait3A_146 = tpu.memref_slice %arg6[%dma_wait3A_143, %dma_wait3A_144, %dma_wait3A_145] : memref<4x832x32xf32, #tpu.memory_space<vmem>> -> memref<1x832x32xf32, #tpu.memory_space<vmem>>
    %dma_wait3A_147 = tpu.memref_squeeze %dma_wait3A_146 : memref<1x832x32xf32, #tpu.memory_space<vmem>> -> memref<832x32xf32, #tpu.memory_space<vmem>>
    %dma_wait3A_148 = arith.constant 0 : i32
    %dma_wait3A_149 = tpu.memref_slice %arg4[%add3A_142, %dma_wait3A_148] : memref<425984x32xf32, #tpu.memory_space<hbm>> -> memref<832x32xf32, #tpu.memory_space<hbm>>
    %dma_wait3A_150 = arith.constant 0 : i32
    %dma_wait3A_151 = tpu.memref_slice %arg4[%add3A_142, %dma_wait3A_150] : memref<425984x32xf32, #tpu.memory_space<hbm>> -> memref<832x32xf32, #tpu.memory_space<hbm>>
    %dma_wait3A_152 = arith.constant 0 : i32
    %dma_wait3A_153 = arith.constant 0 : i32
    %dma_wait3A_154 = tpu.memref_slice %arg6[%dma_wait3A_143, %dma_wait3A_152, %dma_wait3A_153] : memref<4x832x32xf32, #tpu.memory_space<vmem>> -> memref<1x832x32xf32, #tpu.memory_space<vmem>>
    %dma_wait3A_155 = tpu.memref_squeeze %dma_wait3A_154 : memref<1x832x32xf32, #tpu.memory_space<vmem>> -> memref<832x32xf32, #tpu.memory_space<vmem>>
    tpu.wait_dma2 semaphore(%arg11 : memref<!tpu.dma_semaphore, #tpu.memory_space<semaphore_mem>>) src(%dma_wait3A_155 : memref<832x32xf32, #tpu.memory_space<vmem>>) dst(%dma_wait3A_151 : memref<832x32xf32, #tpu.memory_space<hbm>>)
    %dma_start3A_156 = arith.constant 1 : i32
    %dma_start3A_157 = arith.constant 0 : i32
    %dma_start3A_158 = arith.constant 0 : i32
    %dma_start3A_159 = tpu.memref_slice %arg6[%dma_start3A_156, %dma_start3A_157, %dma_start3A_158] : memref<4x832x32xf32, #tpu.memory_space<vmem>> -> memref<1x832x32xf32, #tpu.memory_space<vmem>>
    %dma_start3A_160 = tpu.memref_squeeze %dma_start3A_159 : memref<1x832x32xf32, #tpu.memory_space<vmem>> -> memref<832x32xf32, #tpu.memory_space<vmem>>
    %dma_start3A_161 = arith.constant 4160 : i32
    %dma_start3A_162 = tpu.memref_slice %arg5[%dma_start3A_161] : memref<13312xi32, #tpu.memory_space<vmem>> -> memref<832xi32, #tpu.memory_space<vmem>>
    %dma_start3A_163 = arith.constant 0 : i32
    %dma_start3A_164 = arith.constant 0 : i32
    %dma_start3A_165 = tpu.memref_slice %arg3[%dma_start3A_163, %dma_start3A_164] : memref<1000000x32xf32, #tpu.memory_space<hbm>> -> memref<1000000x32xf32, #tpu.memory_space<hbm>>
    tpu.enqueue_indirect_dma source(%dma_start3A_165 : memref<1000000x32xf32, #tpu.memory_space<hbm>>) target(%dma_start3A_160 : memref<832x32xf32, #tpu.memory_space<vmem>>) offsets(%dma_start3A_162 : memref<832xi32, #tpu.memory_space<vmem>>) semaphore(%arg8 : memref<!tpu.dma_semaphore, #tpu.memory_space<semaphore_mem>>)
    %dma_wait3A_166 = arith.constant 3 : i32
    %dma_wait3A_167 = arith.constant 0 : i32
    %dma_wait3A_168 = arith.constant 0 : i32
    %dma_wait3A_169 = tpu.memref_slice %arg6[%dma_wait3A_166, %dma_wait3A_167, %dma_wait3A_168] : memref<4x832x32xf32, #tpu.memory_space<vmem>> -> memref<1x832x32xf32, #tpu.memory_space<vmem>>
    %dma_wait3A_170 = tpu.memref_squeeze %dma_wait3A_169 : memref<1x832x32xf32, #tpu.memory_space<vmem>> -> memref<832x32xf32, #tpu.memory_space<vmem>>
    %dma_wait3A_171 = arith.constant 2496 : i32
    %dma_wait3A_172 = tpu.memref_slice %arg5[%dma_wait3A_171] : memref<13312xi32, #tpu.memory_space<vmem>> -> memref<832xi32, #tpu.memory_space<vmem>>
    %dma_wait3A_173 = arith.constant 0 : i32
    %dma_wait3A_174 = arith.constant 0 : i32
    %dma_wait3A_175 = tpu.memref_slice %arg3[%dma_wait3A_173, %dma_wait3A_174] : memref<1000000x32xf32, #tpu.memory_space<hbm>> -> memref<1000000x32xf32, #tpu.memory_space<hbm>>
    tpu.wait_indirect_dma semaphore(%arg10 : memref<!tpu.dma_semaphore, #tpu.memory_space<semaphore_mem>>) src(%dma_wait3A_175 : memref<1000000x32xf32, #tpu.memory_space<hbm>>) dst(%dma_wait3A_170 : memref<832x32xf32, #tpu.memory_space<vmem>>)
    %add3A_176 = arith.constant 2496 : i32
    %add3A_177 = arith.addi %mul3A_2, %add3A_176 : i32
    %dma_start3A_178 = arith.constant 3 : i32
    %dma_start3A_179 = arith.constant 0 : i32
    %dma_start3A_180 = arith.constant 0 : i32
    %dma_start3A_181 = tpu.memref_slice %arg6[%dma_start3A_178, %dma_start3A_179, %dma_start3A_180] : memref<4x832x32xf32, #tpu.memory_space<vmem>> -> memref<1x832x32xf32, #tpu.memory_space<vmem>>
    %dma_start3A_182 = tpu.memref_squeeze %dma_start3A_181 : memref<1x832x32xf32, #tpu.memory_space<vmem>> -> memref<832x32xf32, #tpu.memory_space<vmem>>
    %dma_start3A_183 = arith.constant 0 : i32
    %dma_start3A_184 = tpu.memref_slice %arg4[%add3A_177, %dma_start3A_183] : memref<425984x32xf32, #tpu.memory_space<hbm>> -> memref<832x32xf32, #tpu.memory_space<hbm>>
    %dma_start3A_185 = arith.constant 0 : i32
    %dma_start3A_186 = tpu.memref_slice %arg4[%add3A_177, %dma_start3A_185] : memref<425984x32xf32, #tpu.memory_space<hbm>> -> memref<832x32xf32, #tpu.memory_space<hbm>>
    %dma_start3A_187 = arith.constant 0 : i32
    %dma_start3A_188 = arith.constant 0 : i32
    %dma_start3A_189 = tpu.memref_slice %arg6[%dma_start3A_178, %dma_start3A_187, %dma_start3A_188] : memref<4x832x32xf32, #tpu.memory_space<vmem>> -> memref<1x832x32xf32, #tpu.memory_space<vmem>>
    %dma_start3A_190 = tpu.memref_squeeze %dma_start3A_189 : memref<1x832x32xf32, #tpu.memory_space<vmem>> -> memref<832x32xf32, #tpu.memory_space<vmem>>
    tpu.enqueue_dma source(%dma_start3A_190 : memref<832x32xf32, #tpu.memory_space<vmem>>) target(%dma_start3A_186 : memref<832x32xf32, #tpu.memory_space<hbm>>) target_semaphore(%arg11 : memref<!tpu.dma_semaphore, #tpu.memory_space<semaphore_mem>>)
    %add3A_191 = arith.constant 1664 : i32
    %add3A_192 = arith.addi %mul3A_2, %add3A_191 : i32
    %dma_wait3A_193 = arith.constant 2 : i32
    %dma_wait3A_194 = arith.constant 0 : i32
    %dma_wait3A_195 = arith.constant 0 : i32
    %dma_wait3A_196 = tpu.memref_slice %arg6[%dma_wait3A_193, %dma_wait3A_194, %dma_wait3A_195] : memref<4x832x32xf32, #tpu.memory_space<vmem>> -> memref<1x832x32xf32, #tpu.memory_space<vmem>>
    %dma_wait3A_197 = tpu.memref_squeeze %dma_wait3A_196 : memref<1x832x32xf32, #tpu.memory_space<vmem>> -> memref<832x32xf32, #tpu.memory_space<vmem>>
    %dma_wait3A_198 = arith.constant 0 : i32
    %dma_wait3A_199 = tpu.memref_slice %arg4[%add3A_192, %dma_wait3A_198] : memref<425984x32xf32, #tpu.memory_space<hbm>> -> memref<832x32xf32, #tpu.memory_space<hbm>>
    %dma_wait3A_200 = arith.constant 0 : i32
    %dma_wait3A_201 = tpu.memref_slice %arg4[%add3A_192, %dma_wait3A_200] : memref<425984x32xf32, #tpu.memory_space<hbm>> -> memref<832x32xf32, #tpu.memory_space<hbm>>
    %dma_wait3A_202 = arith.constant 0 : i32
    %dma_wait3A_203 = arith.constant 0 : i32
    %dma_wait3A_204 = tpu.memref_slice %arg6[%dma_wait3A_193, %dma_wait3A_202, %dma_wait3A_203] : memref<4x832x32xf32, #tpu.memory_space<vmem>> -> memref<1x832x32xf32, #tpu.memory_space<vmem>>
    %dma_wait3A_205 = tpu.memref_squeeze %dma_wait3A_204 : memref<1x832x32xf32, #tpu.memory_space<vmem>> -> memref<832x32xf32, #tpu.memory_space<vmem>>
    tpu.wait_dma2 semaphore(%arg11 : memref<!tpu.dma_semaphore, #tpu.memory_space<semaphore_mem>>) src(%dma_wait3A_205 : memref<832x32xf32, #tpu.memory_space<vmem>>) dst(%dma_wait3A_201 : memref<832x32xf32, #tpu.memory_space<hbm>>)
    %dma_start3A_206 = arith.constant 2 : i32
    %dma_start3A_207 = arith.constant 0 : i32
    %dma_start3A_208 = arith.constant 0 : i32
    %dma_start3A_209 = tpu.memref_slice %arg6[%dma_start3A_206, %dma_start3A_207, %dma_start3A_208] : memref<4x832x32xf32, #tpu.memory_space<vmem>> -> memref<1x832x32xf32, #tpu.memory_space<vmem>>
    %dma_start3A_210 = tpu.memref_squeeze %dma_start3A_209 : memref<1x832x32xf32, #tpu.memory_space<vmem>> -> memref<832x32xf32, #tpu.memory_space<vmem>>
    %dma_start3A_211 = arith.constant 4992 : i32
    %dma_start3A_212 = tpu.memref_slice %arg5[%dma_start3A_211] : memref<13312xi32, #tpu.memory_space<vmem>> -> memref<832xi32, #tpu.memory_space<vmem>>
    %dma_start3A_213 = arith.constant 0 : i32
    %dma_start3A_214 = arith.constant 0 : i32
    %dma_start3A_215 = tpu.memref_slice %arg3[%dma_start3A_213, %dma_start3A_214] : memref<1000000x32xf32, #tpu.memory_space<hbm>> -> memref<1000000x32xf32, #tpu.memory_space<hbm>>
    tpu.enqueue_indirect_dma source(%dma_start3A_215 : memref<1000000x32xf32, #tpu.memory_space<hbm>>) target(%dma_start3A_210 : memref<832x32xf32, #tpu.memory_space<vmem>>) offsets(%dma_start3A_212 : memref<832xi32, #tpu.memory_space<vmem>>) semaphore(%arg9 : memref<!tpu.dma_semaphore, #tpu.memory_space<semaphore_mem>>)
    %dma_wait3A_216 = arith.constant 0 : i32
    %dma_wait3A_217 = arith.constant 0 : i32
    %dma_wait3A_218 = arith.constant 0 : i32
    %dma_wait3A_219 = tpu.memref_slice %arg6[%dma_wait3A_216, %dma_wait3A_217, %dma_wait3A_218] : memref<4x832x32xf32, #tpu.memory_space<vmem>> -> memref<1x832x32xf32, #tpu.memory_space<vmem>>
    %dma_wait3A_220 = tpu.memref_squeeze %dma_wait3A_219 : memref<1x832x32xf32, #tpu.memory_space<vmem>> -> memref<832x32xf32, #tpu.memory_space<vmem>>
    %dma_wait3A_221 = arith.constant 3328 : i32
    %dma_wait3A_222 = tpu.memref_slice %arg5[%dma_wait3A_221] : memref<13312xi32, #tpu.memory_space<vmem>> -> memref<832xi32, #tpu.memory_space<vmem>>
    %dma_wait3A_223 = arith.constant 0 : i32
    %dma_wait3A_224 = arith.constant 0 : i32
    %dma_wait3A_225 = tpu.memref_slice %arg3[%dma_wait3A_223, %dma_wait3A_224] : memref<1000000x32xf32, #tpu.memory_space<hbm>> -> memref<1000000x32xf32, #tpu.memory_space<hbm>>
    tpu.wait_indirect_dma semaphore(%arg7 : memref<!tpu.dma_semaphore, #tpu.memory_space<semaphore_mem>>) src(%dma_wait3A_225 : memref<1000000x32xf32, #tpu.memory_space<hbm>>) dst(%dma_wait3A_220 : memref<832x32xf32, #tpu.memory_space<vmem>>)
    %add3A_226 = arith.constant 3328 : i32
    %add3A_227 = arith.addi %mul3A_2, %add3A_226 : i32
    %dma_start3A_228 = arith.constant 0 : i32
    %dma_start3A_229 = arith.constant 0 : i32
    %dma_start3A_230 = arith.constant 0 : i32
    %dma_start3A_231 = tpu.memref_slice %arg6[%dma_start3A_228, %dma_start3A_229, %dma_start3A_230] : memref<4x832x32xf32, #tpu.memory_space<vmem>> -> memref<1x832x32xf32, #tpu.memory_space<vmem>>
    %dma_start3A_232 = tpu.memref_squeeze %dma_start3A_231 : memref<1x832x32xf32, #tpu.memory_space<vmem>> -> memref<832x32xf32, #tpu.memory_space<vmem>>
    %dma_start3A_233 = arith.constant 0 : i32
    %dma_start3A_234 = tpu.memref_slice %arg4[%add3A_227, %dma_start3A_233] : memref<425984x32xf32, #tpu.memory_space<hbm>> -> memref<832x32xf32, #tpu.memory_space<hbm>>
    %dma_start3A_235 = arith.constant 0 : i32
    %dma_start3A_236 = tpu.memref_slice %arg4[%add3A_227, %dma_start3A_235] : memref<425984x32xf32, #tpu.memory_space<hbm>> -> memref<832x32xf32, #tpu.memory_space<hbm>>
    %dma_start3A_237 = arith.constant 0 : i32
    %dma_start3A_238 = arith.constant 0 : i32
    %dma_start3A_239 = tpu.memref_slice %arg6[%dma_start3A_228, %dma_start3A_237, %dma_start3A_238] : memref<4x832x32xf32, #tpu.memory_space<vmem>> -> memref<1x832x32xf32, #tpu.memory_space<vmem>>
    %dma_start3A_240 = tpu.memref_squeeze %dma_start3A_239 : memref<1x832x32xf32, #tpu.memory_space<vmem>> -> memref<832x32xf32, #tpu.memory_space<vmem>>
    tpu.enqueue_dma source(%dma_start3A_240 : memref<832x32xf32, #tpu.memory_space<vmem>>) target(%dma_start3A_236 : memref<832x32xf32, #tpu.memory_space<hbm>>) target_semaphore(%arg11 : memref<!tpu.dma_semaphore, #tpu.memory_space<semaphore_mem>>)
    %add3A_241 = arith.constant 2496 : i32
    %add3A_242 = arith.addi %mul3A_2, %add3A_241 : i32
    %dma_wait3A_243 = arith.constant 3 : i32
    %dma_wait3A_244 = arith.constant 0 : i32
    %dma_wait3A_245 = arith.constant 0 : i32
    %dma_wait3A_246 = tpu.memref_slice %arg6[%dma_wait3A_243, %dma_wait3A_244, %dma_wait3A_245] : memref<4x832x32xf32, #tpu.memory_space<vmem>> -> memref<1x832x32xf32, #tpu.memory_space<vmem>>
    %dma_wait3A_247 = tpu.memref_squeeze %dma_wait3A_246 : memref<1x832x32xf32, #tpu.memory_space<vmem>> -> memref<832x32xf32, #tpu.memory_space<vmem>>
    %dma_wait3A_248 = arith.constant 0 : i32
    %dma_wait3A_249 = tpu.memref_slice %arg4[%add3A_242, %dma_wait3A_248] : memref<425984x32xf32, #tpu.memory_space<hbm>> -> memref<832x32xf32, #tpu.memory_space<hbm>>
    %dma_wait3A_250 = arith.constant 0 : i32
    %dma_wait3A_251 = tpu.memref_slice %arg4[%add3A_242, %dma_wait3A_250] : memref<425984x32xf32, #tpu.memory_space<hbm>> -> memref<832x32xf32, #tpu.memory_space<hbm>>
    %dma_wait3A_252 = arith.constant 0 : i32
    %dma_wait3A_253 = arith.constant 0 : i32
    %dma_wait3A_254 = tpu.memref_slice %arg6[%dma_wait3A_243, %dma_wait3A_252, %dma_wait3A_253] : memref<4x832x32xf32, #tpu.memory_space<vmem>> -> memref<1x832x32xf32, #tpu.memory_space<vmem>>
    %dma_wait3A_255 = tpu.memref_squeeze %dma_wait3A_254 : memref<1x832x32xf32, #tpu.memory_space<vmem>> -> memref<832x32xf32, #tpu.memory_space<vmem>>
    tpu.wait_dma2 semaphore(%arg11 : memref<!tpu.dma_semaphore, #tpu.memory_space<semaphore_mem>>) src(%dma_wait3A_255 : memref<832x32xf32, #tpu.memory_space<vmem>>) dst(%dma_wait3A_251 : memref<832x32xf32, #tpu.memory_space<hbm>>)
    %dma_start3A_256 = arith.constant 3 : i32
    %dma_start3A_257 = arith.constant 0 : i32
    %dma_start3A_258 = arith.constant 0 : i32
    %dma_start3A_259 = tpu.memref_slice %arg6[%dma_start3A_256, %dma_start3A_257, %dma_start3A_258] : memref<4x832x32xf32, #tpu.memory_space<vmem>> -> memref<1x832x32xf32, #tpu.memory_space<vmem>>
    %dma_start3A_260 = tpu.memref_squeeze %dma_start3A_259 : memref<1x832x32xf32, #tpu.memory_space<vmem>> -> memref<832x32xf32, #tpu.memory_space<vmem>>
    %dma_start3A_261 = arith.constant 5824 : i32
    %dma_start3A_262 = tpu.memref_slice %arg5[%dma_start3A_261] : memref<13312xi32, #tpu.memory_space<vmem>> -> memref<832xi32, #tpu.memory_space<vmem>>
    %dma_start3A_263 = arith.constant 0 : i32
    %dma_start3A_264 = arith.constant 0 : i32
    %dma_start3A_265 = tpu.memref_slice %arg3[%dma_start3A_263, %dma_start3A_264] : memref<1000000x32xf32, #tpu.memory_space<hbm>> -> memref<1000000x32xf32, #tpu.memory_space<hbm>>
    tpu.enqueue_indirect_dma source(%dma_start3A_265 : memref<1000000x32xf32, #tpu.memory_space<hbm>>) target(%dma_start3A_260 : memref<832x32xf32, #tpu.memory_space<vmem>>) offsets(%dma_start3A_262 : memref<832xi32, #tpu.memory_space<vmem>>) semaphore(%arg10 : memref<!tpu.dma_semaphore, #tpu.memory_space<semaphore_mem>>)
    %dma_wait3A_266 = arith.constant 1 : i32
    %dma_wait3A_267 = arith.constant 0 : i32
    %dma_wait3A_268 = arith.constant 0 : i32
    %dma_wait3A_269 = tpu.memref_slice %arg6[%dma_wait3A_266, %dma_wait3A_267, %dma_wait3A_268] : memref<4x832x32xf32, #tpu.memory_space<vmem>> -> memref<1x832x32xf32, #tpu.memory_space<vmem>>
    %dma_wait3A_270 = tpu.memref_squeeze %dma_wait3A_269 : memref<1x832x32xf32, #tpu.memory_space<vmem>> -> memref<832x32xf32, #tpu.memory_space<vmem>>
    %dma_wait3A_271 = arith.constant 4160 : i32
    %dma_wait3A_272 = tpu.memref_slice %arg5[%dma_wait3A_271] : memref<13312xi32, #tpu.memory_space<vmem>> -> memref<832xi32, #tpu.memory_space<vmem>>
    %dma_wait3A_273 = arith.constant 0 : i32
    %dma_wait3A_274 = arith.constant 0 : i32
    %dma_wait3A_275 = tpu.memref_slice %arg3[%dma_wait3A_273, %dma_wait3A_274] : memref<1000000x32xf32, #tpu.memory_space<hbm>> -> memref<1000000x32xf32, #tpu.memory_space<hbm>>
    tpu.wait_indirect_dma semaphore(%arg8 : memref<!tpu.dma_semaphore, #tpu.memory_space<semaphore_mem>>) src(%dma_wait3A_275 : memref<1000000x32xf32, #tpu.memory_space<hbm>>) dst(%dma_wait3A_270 : memref<832x32xf32, #tpu.memory_space<vmem>>)
    %add3A_276 = arith.constant 4160 : i32
    %add3A_277 = arith.addi %mul3A_2, %add3A_276 : i32
    %dma_start3A_278 = arith.constant 1 : i32
    %dma_start3A_279 = arith.constant 0 : i32
    %dma_start3A_280 = arith.constant 0 : i32
    %dma_start3A_281 = tpu.memref_slice %arg6[%dma_start3A_278, %dma_start3A_279, %dma_start3A_280] : memref<4x832x32xf32, #tpu.memory_space<vmem>> -> memref<1x832x32xf32, #tpu.memory_space<vmem>>
    %dma_start3A_282 = tpu.memref_squeeze %dma_start3A_281 : memref<1x832x32xf32, #tpu.memory_space<vmem>> -> memref<832x32xf32, #tpu.memory_space<vmem>>
    %dma_start3A_283 = arith.constant 0 : i32
    %dma_start3A_284 = tpu.memref_slice %arg4[%add3A_277, %dma_start3A_283] : memref<425984x32xf32, #tpu.memory_space<hbm>> -> memref<832x32xf32, #tpu.memory_space<hbm>>
    %dma_start3A_285 = arith.constant 0 : i32
    %dma_start3A_286 = tpu.memref_slice %arg4[%add3A_277, %dma_start3A_285] : memref<425984x32xf32, #tpu.memory_space<hbm>> -> memref<832x32xf32, #tpu.memory_space<hbm>>
    %dma_start3A_287 = arith.constant 0 : i32
    %dma_start3A_288 = arith.constant 0 : i32
    %dma_start3A_289 = tpu.memref_slice %arg6[%dma_start3A_278, %dma_start3A_287, %dma_start3A_288] : memref<4x832x32xf32, #tpu.memory_space<vmem>> -> memref<1x832x32xf32, #tpu.memory_space<vmem>>
    %dma_start3A_290 = tpu.memref_squeeze %dma_start3A_289 : memref<1x832x32xf32, #tpu.memory_space<vmem>> -> memref<832x32xf32, #tpu.memory_space<vmem>>
    tpu.enqueue_dma source(%dma_start3A_290 : memref<832x32xf32, #tpu.memory_space<vmem>>) target(%dma_start3A_286 : memref<832x32xf32, #tpu.memory_space<hbm>>) target_semaphore(%arg11 : memref<!tpu.dma_semaphore, #tpu.memory_space<semaphore_mem>>)
    %add3A_291 = arith.constant 3328 : i32
    %add3A_292 = arith.addi %mul3A_2, %add3A_291 : i32
    %dma_wait3A_293 = arith.constant 0 : i32
    %dma_wait3A_294 = arith.constant 0 : i32
    %dma_wait3A_295 = arith.constant 0 : i32
    %dma_wait3A_296 = tpu.memref_slice %arg6[%dma_wait3A_293, %dma_wait3A_294, %dma_wait3A_295] : memref<4x832x32xf32, #tpu.memory_space<vmem>> -> memref<1x832x32xf32, #tpu.memory_space<vmem>>
    %dma_wait3A_297 = tpu.memref_squeeze %dma_wait3A_296 : memref<1x832x32xf32, #tpu.memory_space<vmem>> -> memref<832x32xf32, #tpu.memory_space<vmem>>
    %dma_wait3A_298 = arith.constant 0 : i32
    %dma_wait3A_299 = tpu.memref_slice %arg4[%add3A_292, %dma_wait3A_298] : memref<425984x32xf32, #tpu.memory_space<hbm>> -> memref<832x32xf32, #tpu.memory_space<hbm>>
    %dma_wait3A_300 = arith.constant 0 : i32
    %dma_wait3A_301 = tpu.memref_slice %arg4[%add3A_292, %dma_wait3A_300] : memref<425984x32xf32, #tpu.memory_space<hbm>> -> memref<832x32xf32, #tpu.memory_space<hbm>>
    %dma_wait3A_302 = arith.constant 0 : i32
    %dma_wait3A_303 = arith.constant 0 : i32
    %dma_wait3A_304 = tpu.memref_slice %arg6[%dma_wait3A_293, %dma_wait3A_302, %dma_wait3A_303] : memref<4x832x32xf32, #tpu.memory_space<vmem>> -> memref<1x832x32xf32, #tpu.memory_space<vmem>>
    %dma_wait3A_305 = tpu.memref_squeeze %dma_wait3A_304 : memref<1x832x32xf32, #tpu.memory_space<vmem>> -> memref<832x32xf32, #tpu.memory_space<vmem>>
    tpu.wait_dma2 semaphore(%arg11 : memref<!tpu.dma_semaphore, #tpu.memory_space<semaphore_mem>>) src(%dma_wait3A_305 : memref<832x32xf32, #tpu.memory_space<vmem>>) dst(%dma_wait3A_301 : memref<832x32xf32, #tpu.memory_space<hbm>>)
    %dma_start3A_306 = arith.constant 0 : i32
    %dma_start3A_307 = arith.constant 0 : i32
    %dma_start3A_308 = arith.constant 0 : i32
    %dma_start3A_309 = tpu.memref_slice %arg6[%dma_start3A_306, %dma_start3A_307, %dma_start3A_308] : memref<4x832x32xf32, #tpu.memory_space<vmem>> -> memref<1x832x32xf32, #tpu.memory_space<vmem>>
    %dma_start3A_310 = tpu.memref_squeeze %dma_start3A_309 : memref<1x832x32xf32, #tpu.memory_space<vmem>> -> memref<832x32xf32, #tpu.memory_space<vmem>>
    %dma_start3A_311 = arith.constant 6656 : i32
    %dma_start3A_312 = tpu.memref_slice %arg5[%dma_start3A_311] : memref<13312xi32, #tpu.memory_space<vmem>> -> memref<832xi32, #tpu.memory_space<vmem>>
    %dma_start3A_313 = arith.constant 0 : i32
    %dma_start3A_314 = arith.constant 0 : i32
    %dma_start3A_315 = tpu.memref_slice %arg3[%dma_start3A_313, %dma_start3A_314] : memref<1000000x32xf32, #tpu.memory_space<hbm>> -> memref<1000000x32xf32, #tpu.memory_space<hbm>>
    tpu.enqueue_indirect_dma source(%dma_start3A_315 : memref<1000000x32xf32, #tpu.memory_space<hbm>>) target(%dma_start3A_310 : memref<832x32xf32, #tpu.memory_space<vmem>>) offsets(%dma_start3A_312 : memref<832xi32, #tpu.memory_space<vmem>>) semaphore(%arg7 : memref<!tpu.dma_semaphore, #tpu.memory_space<semaphore_mem>>)
    %dma_wait3A_316 = arith.constant 2 : i32
    %dma_wait3A_317 = arith.constant 0 : i32
    %dma_wait3A_318 = arith.constant 0 : i32
    %dma_wait3A_319 = tpu.memref_slice %arg6[%dma_wait3A_316, %dma_wait3A_317, %dma_wait3A_318] : memref<4x832x32xf32, #tpu.memory_space<vmem>> -> memref<1x832x32xf32, #tpu.memory_space<vmem>>
    %dma_wait3A_320 = tpu.memref_squeeze %dma_wait3A_319 : memref<1x832x32xf32, #tpu.memory_space<vmem>> -> memref<832x32xf32, #tpu.memory_space<vmem>>
    %dma_wait3A_321 = arith.constant 4992 : i32
    %dma_wait3A_322 = tpu.memref_slice %arg5[%dma_wait3A_321] : memref<13312xi32, #tpu.memory_space<vmem>> -> memref<832xi32, #tpu.memory_space<vmem>>
    %dma_wait3A_323 = arith.constant 0 : i32
    %dma_wait3A_324 = arith.constant 0 : i32
    %dma_wait3A_325 = tpu.memref_slice %arg3[%dma_wait3A_323, %dma_wait3A_324] : memref<1000000x32xf32, #tpu.memory_space<hbm>> -> memref<1000000x32xf32, #tpu.memory_space<hbm>>
    tpu.wait_indirect_dma semaphore(%arg9 : memref<!tpu.dma_semaphore, #tpu.memory_space<semaphore_mem>>) src(%dma_wait3A_325 : memref<1000000x32xf32, #tpu.memory_space<hbm>>) dst(%dma_wait3A_320 : memref<832x32xf32, #tpu.memory_space<vmem>>)
    %add3A_326 = arith.constant 4992 : i32
    %add3A_327 = arith.addi %mul3A_2, %add3A_326 : i32
    %dma_start3A_328 = arith.constant 2 : i32
    %dma_start3A_329 = arith.constant 0 : i32
    %dma_start3A_330 = arith.constant 0 : i32
    %dma_start3A_331 = tpu.memref_slice %arg6[%dma_start3A_328, %dma_start3A_329, %dma_start3A_330] : memref<4x832x32xf32, #tpu.memory_space<vmem>> -> memref<1x832x32xf32, #tpu.memory_space<vmem>>
    %dma_start3A_332 = tpu.memref_squeeze %dma_start3A_331 : memref<1x832x32xf32, #tpu.memory_space<vmem>> -> memref<832x32xf32, #tpu.memory_space<vmem>>
    %dma_start3A_333 = arith.constant 0 : i32
    %dma_start3A_334 = tpu.memref_slice %arg4[%add3A_327, %dma_start3A_333] : memref<425984x32xf32, #tpu.memory_space<hbm>> -> memref<832x32xf32, #tpu.memory_space<hbm>>
    %dma_start3A_335 = arith.constant 0 : i32
    %dma_start3A_336 = tpu.memref_slice %arg4[%add3A_327, %dma_start3A_335] : memref<425984x32xf32, #tpu.memory_space<hbm>> -> memref<832x32xf32, #tpu.memory_space<hbm>>
    %dma_start3A_337 = arith.constant 0 : i32
    %dma_start3A_338 = arith.constant 0 : i32
    %dma_start3A_339 = tpu.memref_slice %arg6[%dma_start3A_328, %dma_start3A_337, %dma_start3A_338] : memref<4x832x32xf32, #tpu.memory_space<vmem>> -> memref<1x832x32xf32, #tpu.memory_space<vmem>>
    %dma_start3A_340 = tpu.memref_squeeze %dma_start3A_339 : memref<1x832x32xf32, #tpu.memory_space<vmem>> -> memref<832x32xf32, #tpu.memory_space<vmem>>
    tpu.enqueue_dma source(%dma_start3A_340 : memref<832x32xf32, #tpu.memory_space<vmem>>) target(%dma_start3A_336 : memref<832x32xf32, #tpu.memory_space<hbm>>) target_semaphore(%arg11 : memref<!tpu.dma_semaphore, #tpu.memory_space<semaphore_mem>>)
    %add3A_341 = arith.constant 4160 : i32
    %add3A_342 = arith.addi %mul3A_2, %add3A_341 : i32
    %dma_wait3A_343 = arith.constant 1 : i32
    %dma_wait3A_344 = arith.constant 0 : i32
    %dma_wait3A_345 = arith.constant 0 : i32
    %dma_wait3A_346 = tpu.memref_slice %arg6[%dma_wait3A_343, %dma_wait3A_344, %dma_wait3A_345] : memref<4x832x32xf32, #tpu.memory_space<vmem>> -> memref<1x832x32xf32, #tpu.memory_space<vmem>>
    %dma_wait3A_347 = tpu.memref_squeeze %dma_wait3A_346 : memref<1x832x32xf32, #tpu.memory_space<vmem>> -> memref<832x32xf32, #tpu.memory_space<vmem>>
    %dma_wait3A_348 = arith.constant 0 : i32
    %dma_wait3A_349 = tpu.memref_slice %arg4[%add3A_342, %dma_wait3A_348] : memref<425984x32xf32, #tpu.memory_space<hbm>> -> memref<832x32xf32, #tpu.memory_space<hbm>>
    %dma_wait3A_350 = arith.constant 0 : i32
    %dma_wait3A_351 = tpu.memref_slice %arg4[%add3A_342, %dma_wait3A_350] : memref<425984x32xf32, #tpu.memory_space<hbm>> -> memref<832x32xf32, #tpu.memory_space<hbm>>
    %dma_wait3A_352 = arith.constant 0 : i32
    %dma_wait3A_353 = arith.constant 0 : i32
    %dma_wait3A_354 = tpu.memref_slice %arg6[%dma_wait3A_343, %dma_wait3A_352, %dma_wait3A_353] : memref<4x832x32xf32, #tpu.memory_space<vmem>> -> memref<1x832x32xf32, #tpu.memory_space<vmem>>
    %dma_wait3A_355 = tpu.memref_squeeze %dma_wait3A_354 : memref<1x832x32xf32, #tpu.memory_space<vmem>> -> memref<832x32xf32, #tpu.memory_space<vmem>>
    tpu.wait_dma2 semaphore(%arg11 : memref<!tpu.dma_semaphore, #tpu.memory_space<semaphore_mem>>) src(%dma_wait3A_355 : memref<832x32xf32, #tpu.memory_space<vmem>>) dst(%dma_wait3A_351 : memref<832x32xf32, #tpu.memory_space<hbm>>)
    %dma_start3A_356 = arith.constant 1 : i32
    %dma_start3A_357 = arith.constant 0 : i32
    %dma_start3A_358 = arith.constant 0 : i32
    %dma_start3A_359 = tpu.memref_slice %arg6[%dma_start3A_356, %dma_start3A_357, %dma_start3A_358] : memref<4x832x32xf32, #tpu.memory_space<vmem>> -> memref<1x832x32xf32, #tpu.memory_space<vmem>>
    %dma_start3A_360 = tpu.memref_squeeze %dma_start3A_359 : memref<1x832x32xf32, #tpu.memory_space<vmem>> -> memref<832x32xf32, #tpu.memory_space<vmem>>
    %dma_start3A_361 = arith.constant 7488 : i32
    %dma_start3A_362 = tpu.memref_slice %arg5[%dma_start3A_361] : memref<13312xi32, #tpu.memory_space<vmem>> -> memref<832xi32, #tpu.memory_space<vmem>>
    %dma_start3A_363 = arith.constant 0 : i32
    %dma_start3A_364 = arith.constant 0 : i32
    %dma_start3A_365 = tpu.memref_slice %arg3[%dma_start3A_363, %dma_start3A_364] : memref<1000000x32xf32, #tpu.memory_space<hbm>> -> memref<1000000x32xf32, #tpu.memory_space<hbm>>
    tpu.enqueue_indirect_dma source(%dma_start3A_365 : memref<1000000x32xf32, #tpu.memory_space<hbm>>) target(%dma_start3A_360 : memref<832x32xf32, #tpu.memory_space<vmem>>) offsets(%dma_start3A_362 : memref<832xi32, #tpu.memory_space<vmem>>) semaphore(%arg8 : memref<!tpu.dma_semaphore, #tpu.memory_space<semaphore_mem>>)
    %dma_wait3A_366 = arith.constant 3 : i32
    %dma_wait3A_367 = arith.constant 0 : i32
    %dma_wait3A_368 = arith.constant 0 : i32
    %dma_wait3A_369 = tpu.memref_slice %arg6[%dma_wait3A_366, %dma_wait3A_367, %dma_wait3A_368] : memref<4x832x32xf32, #tpu.memory_space<vmem>> -> memref<1x832x32xf32, #tpu.memory_space<vmem>>
    %dma_wait3A_370 = tpu.memref_squeeze %dma_wait3A_369 : memref<1x832x32xf32, #tpu.memory_space<vmem>> -> memref<832x32xf32, #tpu.memory_space<vmem>>
    %dma_wait3A_371 = arith.constant 5824 : i32
    %dma_wait3A_372 = tpu.memref_slice %arg5[%dma_wait3A_371] : memref<13312xi32, #tpu.memory_space<vmem>> -> memref<832xi32, #tpu.memory_space<vmem>>
    %dma_wait3A_373 = arith.constant 0 : i32
    %dma_wait3A_374 = arith.constant 0 : i32
    %dma_wait3A_375 = tpu.memref_slice %arg3[%dma_wait3A_373, %dma_wait3A_374] : memref<1000000x32xf32, #tpu.memory_space<hbm>> -> memref<1000000x32xf32, #tpu.memory_space<hbm>>
    tpu.wait_indirect_dma semaphore(%arg10 : memref<!tpu.dma_semaphore, #tpu.memory_space<semaphore_mem>>) src(%dma_wait3A_375 : memref<1000000x32xf32, #tpu.memory_space<hbm>>) dst(%dma_wait3A_370 : memref<832x32xf32, #tpu.memory_space<vmem>>)
    %add3A_376 = arith.constant 5824 : i32
    %add3A_377 = arith.addi %mul3A_2, %add3A_376 : i32
    %dma_start3A_378 = arith.constant 3 : i32
    %dma_start3A_379 = arith.constant 0 : i32
    %dma_start3A_380 = arith.constant 0 : i32
    %dma_start3A_381 = tpu.memref_slice %arg6[%dma_start3A_378, %dma_start3A_379, %dma_start3A_380] : memref<4x832x32xf32, #tpu.memory_space<vmem>> -> memref<1x832x32xf32, #tpu.memory_space<vmem>>
    %dma_start3A_382 = tpu.memref_squeeze %dma_start3A_381 : memref<1x832x32xf32, #tpu.memory_space<vmem>> -> memref<832x32xf32, #tpu.memory_space<vmem>>
    %dma_start3A_383 = arith.constant 0 : i32
    %dma_start3A_384 = tpu.memref_slice %arg4[%add3A_377, %dma_start3A_383] : memref<425984x32xf32, #tpu.memory_space<hbm>> -> memref<832x32xf32, #tpu.memory_space<hbm>>
    %dma_start3A_385 = arith.constant 0 : i32
    %dma_start3A_386 = tpu.memref_slice %arg4[%add3A_377, %dma_start3A_385] : memref<425984x32xf32, #tpu.memory_space<hbm>> -> memref<832x32xf32, #tpu.memory_space<hbm>>
    %dma_start3A_387 = arith.constant 0 : i32
    %dma_start3A_388 = arith.constant 0 : i32
    %dma_start3A_389 = tpu.memref_slice %arg6[%dma_start3A_378, %dma_start3A_387, %dma_start3A_388] : memref<4x832x32xf32, #tpu.memory_space<vmem>> -> memref<1x832x32xf32, #tpu.memory_space<vmem>>
    %dma_start3A_390 = tpu.memref_squeeze %dma_start3A_389 : memref<1x832x32xf32, #tpu.memory_space<vmem>> -> memref<832x32xf32, #tpu.memory_space<vmem>>
    tpu.enqueue_dma source(%dma_start3A_390 : memref<832x32xf32, #tpu.memory_space<vmem>>) target(%dma_start3A_386 : memref<832x32xf32, #tpu.memory_space<hbm>>) target_semaphore(%arg11 : memref<!tpu.dma_semaphore, #tpu.memory_space<semaphore_mem>>)
    %add3A_391 = arith.constant 4992 : i32
    %add3A_392 = arith.addi %mul3A_2, %add3A_391 : i32
    %dma_wait3A_393 = arith.constant 2 : i32
    %dma_wait3A_394 = arith.constant 0 : i32
    %dma_wait3A_395 = arith.constant 0 : i32
    %dma_wait3A_396 = tpu.memref_slice %arg6[%dma_wait3A_393, %dma_wait3A_394, %dma_wait3A_395] : memref<4x832x32xf32, #tpu.memory_space<vmem>> -> memref<1x832x32xf32, #tpu.memory_space<vmem>>
    %dma_wait3A_397 = tpu.memref_squeeze %dma_wait3A_396 : memref<1x832x32xf32, #tpu.memory_space<vmem>> -> memref<832x32xf32, #tpu.memory_space<vmem>>
    %dma_wait3A_398 = arith.constant 0 : i32
    %dma_wait3A_399 = tpu.memref_slice %arg4[%add3A_392, %dma_wait3A_398] : memref<425984x32xf32, #tpu.memory_space<hbm>> -> memref<832x32xf32, #tpu.memory_space<hbm>>
    %dma_wait3A_400 = arith.constant 0 : i32
    %dma_wait3A_401 = tpu.memref_slice %arg4[%add3A_392, %dma_wait3A_400] : memref<425984x32xf32, #tpu.memory_space<hbm>> -> memref<832x32xf32, #tpu.memory_space<hbm>>
    %dma_wait3A_402 = arith.constant 0 : i32
    %dma_wait3A_403 = arith.constant 0 : i32
    %dma_wait3A_404 = tpu.memref_slice %arg6[%dma_wait3A_393, %dma_wait3A_402, %dma_wait3A_403] : memref<4x832x32xf32, #tpu.memory_space<vmem>> -> memref<1x832x32xf32, #tpu.memory_space<vmem>>
    %dma_wait3A_405 = tpu.memref_squeeze %dma_wait3A_404 : memref<1x832x32xf32, #tpu.memory_space<vmem>> -> memref<832x32xf32, #tpu.memory_space<vmem>>
    tpu.wait_dma2 semaphore(%arg11 : memref<!tpu.dma_semaphore, #tpu.memory_space<semaphore_mem>>) src(%dma_wait3A_405 : memref<832x32xf32, #tpu.memory_space<vmem>>) dst(%dma_wait3A_401 : memref<832x32xf32, #tpu.memory_space<hbm>>)
    %dma_start3A_406 = arith.constant 2 : i32
    %dma_start3A_407 = arith.constant 0 : i32
    %dma_start3A_408 = arith.constant 0 : i32
    %dma_start3A_409 = tpu.memref_slice %arg6[%dma_start3A_406, %dma_start3A_407, %dma_start3A_408] : memref<4x832x32xf32, #tpu.memory_space<vmem>> -> memref<1x832x32xf32, #tpu.memory_space<vmem>>
    %dma_start3A_410 = tpu.memref_squeeze %dma_start3A_409 : memref<1x832x32xf32, #tpu.memory_space<vmem>> -> memref<832x32xf32, #tpu.memory_space<vmem>>
    %dma_start3A_411 = arith.constant 8320 : i32
    %dma_start3A_412 = tpu.memref_slice %arg5[%dma_start3A_411] : memref<13312xi32, #tpu.memory_space<vmem>> -> memref<832xi32, #tpu.memory_space<vmem>>
    %dma_start3A_413 = arith.constant 0 : i32
    %dma_start3A_414 = arith.constant 0 : i32
    %dma_start3A_415 = tpu.memref_slice %arg3[%dma_start3A_413, %dma_start3A_414] : memref<1000000x32xf32, #tpu.memory_space<hbm>> -> memref<1000000x32xf32, #tpu.memory_space<hbm>>
    tpu.enqueue_indirect_dma source(%dma_start3A_415 : memref<1000000x32xf32, #tpu.memory_space<hbm>>) target(%dma_start3A_410 : memref<832x32xf32, #tpu.memory_space<vmem>>) offsets(%dma_start3A_412 : memref<832xi32, #tpu.memory_space<vmem>>) semaphore(%arg9 : memref<!tpu.dma_semaphore, #tpu.memory_space<semaphore_mem>>)
    %dma_wait3A_416 = arith.constant 0 : i32
    %dma_wait3A_417 = arith.constant 0 : i32
    %dma_wait3A_418 = arith.constant 0 : i32
    %dma_wait3A_419 = tpu.memref_slice %arg6[%dma_wait3A_416, %dma_wait3A_417, %dma_wait3A_418] : memref<4x832x32xf32, #tpu.memory_space<vmem>> -> memref<1x832x32xf32, #tpu.memory_space<vmem>>
    %dma_wait3A_420 = tpu.memref_squeeze %dma_wait3A_419 : memref<1x832x32xf32, #tpu.memory_space<vmem>> -> memref<832x32xf32, #tpu.memory_space<vmem>>
    %dma_wait3A_421 = arith.constant 6656 : i32
    %dma_wait3A_422 = tpu.memref_slice %arg5[%dma_wait3A_421] : memref<13312xi32, #tpu.memory_space<vmem>> -> memref<832xi32, #tpu.memory_space<vmem>>
    %dma_wait3A_423 = arith.constant 0 : i32
    %dma_wait3A_424 = arith.constant 0 : i32
    %dma_wait3A_425 = tpu.memref_slice %arg3[%dma_wait3A_423, %dma_wait3A_424] : memref<1000000x32xf32, #tpu.memory_space<hbm>> -> memref<1000000x32xf32, #tpu.memory_space<hbm>>
    tpu.wait_indirect_dma semaphore(%arg7 : memref<!tpu.dma_semaphore, #tpu.memory_space<semaphore_mem>>) src(%dma_wait3A_425 : memref<1000000x32xf32, #tpu.memory_space<hbm>>) dst(%dma_wait3A_420 : memref<832x32xf32, #tpu.memory_space<vmem>>)
    %add3A_426 = arith.constant 6656 : i32
    %add3A_427 = arith.addi %mul3A_2, %add3A_426 : i32
    %dma_start3A_428 = arith.constant 0 : i32
    %dma_start3A_429 = arith.constant 0 : i32
    %dma_start3A_430 = arith.constant 0 : i32
    %dma_start3A_431 = tpu.memref_slice %arg6[%dma_start3A_428, %dma_start3A_429, %dma_start3A_430] : memref<4x832x32xf32, #tpu.memory_space<vmem>> -> memref<1x832x32xf32, #tpu.memory_space<vmem>>
    %dma_start3A_432 = tpu.memref_squeeze %dma_start3A_431 : memref<1x832x32xf32, #tpu.memory_space<vmem>> -> memref<832x32xf32, #tpu.memory_space<vmem>>
    %dma_start3A_433 = arith.constant 0 : i32
    %dma_start3A_434 = tpu.memref_slice %arg4[%add3A_427, %dma_start3A_433] : memref<425984x32xf32, #tpu.memory_space<hbm>> -> memref<832x32xf32, #tpu.memory_space<hbm>>
    %dma_start3A_435 = arith.constant 0 : i32
    %dma_start3A_436 = tpu.memref_slice %arg4[%add3A_427, %dma_start3A_435] : memref<425984x32xf32, #tpu.memory_space<hbm>> -> memref<832x32xf32, #tpu.memory_space<hbm>>
    %dma_start3A_437 = arith.constant 0 : i32
    %dma_start3A_438 = arith.constant 0 : i32
    %dma_start3A_439 = tpu.memref_slice %arg6[%dma_start3A_428, %dma_start3A_437, %dma_start3A_438] : memref<4x832x32xf32, #tpu.memory_space<vmem>> -> memref<1x832x32xf32, #tpu.memory_space<vmem>>
    %dma_start3A_440 = tpu.memref_squeeze %dma_start3A_439 : memref<1x832x32xf32, #tpu.memory_space<vmem>> -> memref<832x32xf32, #tpu.memory_space<vmem>>
    tpu.enqueue_dma source(%dma_start3A_440 : memref<832x32xf32, #tpu.memory_space<vmem>>) target(%dma_start3A_436 : memref<832x32xf32, #tpu.memory_space<hbm>>) target_semaphore(%arg11 : memref<!tpu.dma_semaphore, #tpu.memory_space<semaphore_mem>>)
    %add3A_441 = arith.constant 5824 : i32
    %add3A_442 = arith.addi %mul3A_2, %add3A_441 : i32
    %dma_wait3A_443 = arith.constant 3 : i32
    %dma_wait3A_444 = arith.constant 0 : i32
    %dma_wait3A_445 = arith.constant 0 : i32
    %dma_wait3A_446 = tpu.memref_slice %arg6[%dma_wait3A_443, %dma_wait3A_444, %dma_wait3A_445] : memref<4x832x32xf32, #tpu.memory_space<vmem>> -> memref<1x832x32xf32, #tpu.memory_space<vmem>>
    %dma_wait3A_447 = tpu.memref_squeeze %dma_wait3A_446 : memref<1x832x32xf32, #tpu.memory_space<vmem>> -> memref<832x32xf32, #tpu.memory_space<vmem>>
    %dma_wait3A_448 = arith.constant 0 : i32
    %dma_wait3A_449 = tpu.memref_slice %arg4[%add3A_442, %dma_wait3A_448] : memref<425984x32xf32, #tpu.memory_space<hbm>> -> memref<832x32xf32, #tpu.memory_space<hbm>>
    %dma_wait3A_450 = arith.constant 0 : i32
    %dma_wait3A_451 = tpu.memref_slice %arg4[%add3A_442, %dma_wait3A_450] : memref<425984x32xf32, #tpu.memory_space<hbm>> -> memref<832x32xf32, #tpu.memory_space<hbm>>
    %dma_wait3A_452 = arith.constant 0 : i32
    %dma_wait3A_453 = arith.constant 0 : i32
    %dma_wait3A_454 = tpu.memref_slice %arg6[%dma_wait3A_443, %dma_wait3A_452, %dma_wait3A_453] : memref<4x832x32xf32, #tpu.memory_space<vmem>> -> memref<1x832x32xf32, #tpu.memory_space<vmem>>
    %dma_wait3A_455 = tpu.memref_squeeze %dma_wait3A_454 : memref<1x832x32xf32, #tpu.memory_space<vmem>> -> memref<832x32xf32, #tpu.memory_space<vmem>>
    tpu.wait_dma2 semaphore(%arg11 : memref<!tpu.dma_semaphore, #tpu.memory_space<semaphore_mem>>) src(%dma_wait3A_455 : memref<832x32xf32, #tpu.memory_space<vmem>>) dst(%dma_wait3A_451 : memref<832x32xf32, #tpu.memory_space<hbm>>)
    %dma_start3A_456 = arith.constant 3 : i32
    %dma_start3A_457 = arith.constant 0 : i32
    %dma_start3A_458 = arith.constant 0 : i32
    %dma_start3A_459 = tpu.memref_slice %arg6[%dma_start3A_456, %dma_start3A_457, %dma_start3A_458] : memref<4x832x32xf32, #tpu.memory_space<vmem>> -> memref<1x832x32xf32, #tpu.memory_space<vmem>>
    %dma_start3A_460 = tpu.memref_squeeze %dma_start3A_459 : memref<1x832x32xf32, #tpu.memory_space<vmem>> -> memref<832x32xf32, #tpu.memory_space<vmem>>
    %dma_start3A_461 = arith.constant 9152 : i32
    %dma_start3A_462 = tpu.memref_slice %arg5[%dma_start3A_461] : memref<13312xi32, #tpu.memory_space<vmem>> -> memref<832xi32, #tpu.memory_space<vmem>>
    %dma_start3A_463 = arith.constant 0 : i32
    %dma_start3A_464 = arith.constant 0 : i32
    %dma_start3A_465 = tpu.memref_slice %arg3[%dma_start3A_463, %dma_start3A_464] : memref<1000000x32xf32, #tpu.memory_space<hbm>> -> memref<1000000x32xf32, #tpu.memory_space<hbm>>
    tpu.enqueue_indirect_dma source(%dma_start3A_465 : memref<1000000x32xf32, #tpu.memory_space<hbm>>) target(%dma_start3A_460 : memref<832x32xf32, #tpu.memory_space<vmem>>) offsets(%dma_start3A_462 : memref<832xi32, #tpu.memory_space<vmem>>) semaphore(%arg10 : memref<!tpu.dma_semaphore, #tpu.memory_space<semaphore_mem>>)
    %dma_wait3A_466 = arith.constant 1 : i32
    %dma_wait3A_467 = arith.constant 0 : i32
    %dma_wait3A_468 = arith.constant 0 : i32
    %dma_wait3A_469 = tpu.memref_slice %arg6[%dma_wait3A_466, %dma_wait3A_467, %dma_wait3A_468] : memref<4x832x32xf32, #tpu.memory_space<vmem>> -> memref<1x832x32xf32, #tpu.memory_space<vmem>>
    %dma_wait3A_470 = tpu.memref_squeeze %dma_wait3A_469 : memref<1x832x32xf32, #tpu.memory_space<vmem>> -> memref<832x32xf32, #tpu.memory_space<vmem>>
    %dma_wait3A_471 = arith.constant 7488 : i32
    %dma_wait3A_472 = tpu.memref_slice %arg5[%dma_wait3A_471] : memref<13312xi32, #tpu.memory_space<vmem>> -> memref<832xi32, #tpu.memory_space<vmem>>
    %dma_wait3A_473 = arith.constant 0 : i32
    %dma_wait3A_474 = arith.constant 0 : i32
    %dma_wait3A_475 = tpu.memref_slice %arg3[%dma_wait3A_473, %dma_wait3A_474] : memref<1000000x32xf32, #tpu.memory_space<hbm>> -> memref<1000000x32xf32, #tpu.memory_space<hbm>>
    tpu.wait_indirect_dma semaphore(%arg8 : memref<!tpu.dma_semaphore, #tpu.memory_space<semaphore_mem>>) src(%dma_wait3A_475 : memref<1000000x32xf32, #tpu.memory_space<hbm>>) dst(%dma_wait3A_470 : memref<832x32xf32, #tpu.memory_space<vmem>>)
    %add3A_476 = arith.constant 7488 : i32
    %add3A_477 = arith.addi %mul3A_2, %add3A_476 : i32
    %dma_start3A_478 = arith.constant 1 : i32
    %dma_start3A_479 = arith.constant 0 : i32
    %dma_start3A_480 = arith.constant 0 : i32
    %dma_start3A_481 = tpu.memref_slice %arg6[%dma_start3A_478, %dma_start3A_479, %dma_start3A_480] : memref<4x832x32xf32, #tpu.memory_space<vmem>> -> memref<1x832x32xf32, #tpu.memory_space<vmem>>
    %dma_start3A_482 = tpu.memref_squeeze %dma_start3A_481 : memref<1x832x32xf32, #tpu.memory_space<vmem>> -> memref<832x32xf32, #tpu.memory_space<vmem>>
    %dma_start3A_483 = arith.constant 0 : i32
    %dma_start3A_484 = tpu.memref_slice %arg4[%add3A_477, %dma_start3A_483] : memref<425984x32xf32, #tpu.memory_space<hbm>> -> memref<832x32xf32, #tpu.memory_space<hbm>>
    %dma_start3A_485 = arith.constant 0 : i32
    %dma_start3A_486 = tpu.memref_slice %arg4[%add3A_477, %dma_start3A_485] : memref<425984x32xf32, #tpu.memory_space<hbm>> -> memref<832x32xf32, #tpu.memory_space<hbm>>
    %dma_start3A_487 = arith.constant 0 : i32
    %dma_start3A_488 = arith.constant 0 : i32
    %dma_start3A_489 = tpu.memref_slice %arg6[%dma_start3A_478, %dma_start3A_487, %dma_start3A_488] : memref<4x832x32xf32, #tpu.memory_space<vmem>> -> memref<1x832x32xf32, #tpu.memory_space<vmem>>
    %dma_start3A_490 = tpu.memref_squeeze %dma_start3A_489 : memref<1x832x32xf32, #tpu.memory_space<vmem>> -> memref<832x32xf32, #tpu.memory_space<vmem>>
    tpu.enqueue_dma source(%dma_start3A_490 : memref<832x32xf32, #tpu.memory_space<vmem>>) target(%dma_start3A_486 : memref<832x32xf32, #tpu.memory_space<hbm>>) target_semaphore(%arg11 : memref<!tpu.dma_semaphore, #tpu.memory_space<semaphore_mem>>)
    %add3A_491 = arith.constant 6656 : i32
    %add3A_492 = arith.addi %mul3A_2, %add3A_491 : i32
    %dma_wait3A_493 = arith.constant 0 : i32
    %dma_wait3A_494 = arith.constant 0 : i32
    %dma_wait3A_495 = arith.constant 0 : i32
    %dma_wait3A_496 = tpu.memref_slice %arg6[%dma_wait3A_493, %dma_wait3A_494, %dma_wait3A_495] : memref<4x832x32xf32, #tpu.memory_space<vmem>> -> memref<1x832x32xf32, #tpu.memory_space<vmem>>
    %dma_wait3A_497 = tpu.memref_squeeze %dma_wait3A_496 : memref<1x832x32xf32, #tpu.memory_space<vmem>> -> memref<832x32xf32, #tpu.memory_space<vmem>>
    %dma_wait3A_498 = arith.constant 0 : i32
    %dma_wait3A_499 = tpu.memref_slice %arg4[%add3A_492, %dma_wait3A_498] : memref<425984x32xf32, #tpu.memory_space<hbm>> -> memref<832x32xf32, #tpu.memory_space<hbm>>
    %dma_wait3A_500 = arith.constant 0 : i32
    %dma_wait3A_501 = tpu.memref_slice %arg4[%add3A_492, %dma_wait3A_500] : memref<425984x32xf32, #tpu.memory_space<hbm>> -> memref<832x32xf32, #tpu.memory_space<hbm>>
    %dma_wait3A_502 = arith.constant 0 : i32
    %dma_wait3A_503 = arith.constant 0 : i32
    %dma_wait3A_504 = tpu.memref_slice %arg6[%dma_wait3A_493, %dma_wait3A_502, %dma_wait3A_503] : memref<4x832x32xf32, #tpu.memory_space<vmem>> -> memref<1x832x32xf32, #tpu.memory_space<vmem>>
    %dma_wait3A_505 = tpu.memref_squeeze %dma_wait3A_504 : memref<1x832x32xf32, #tpu.memory_space<vmem>> -> memref<832x32xf32, #tpu.memory_space<vmem>>
    tpu.wait_dma2 semaphore(%arg11 : memref<!tpu.dma_semaphore, #tpu.memory_space<semaphore_mem>>) src(%dma_wait3A_505 : memref<832x32xf32, #tpu.memory_space<vmem>>) dst(%dma_wait3A_501 : memref<832x32xf32, #tpu.memory_space<hbm>>)
    %dma_start3A_506 = arith.constant 0 : i32
    %dma_start3A_507 = arith.constant 0 : i32
    %dma_start3A_508 = arith.constant 0 : i32
    %dma_start3A_509 = tpu.memref_slice %arg6[%dma_start3A_506, %dma_start3A_507, %dma_start3A_508] : memref<4x832x32xf32, #tpu.memory_space<vmem>> -> memref<1x832x32xf32, #tpu.memory_space<vmem>>
    %dma_start3A_510 = tpu.memref_squeeze %dma_start3A_509 : memref<1x832x32xf32, #tpu.memory_space<vmem>> -> memref<832x32xf32, #tpu.memory_space<vmem>>
    %dma_start3A_511 = arith.constant 9984 : i32
    %dma_start3A_512 = tpu.memref_slice %arg5[%dma_start3A_511] : memref<13312xi32, #tpu.memory_space<vmem>> -> memref<832xi32, #tpu.memory_space<vmem>>
    %dma_start3A_513 = arith.constant 0 : i32
    %dma_start3A_514 = arith.constant 0 : i32
    %dma_start3A_515 = tpu.memref_slice %arg3[%dma_start3A_513, %dma_start3A_514] : memref<1000000x32xf32, #tpu.memory_space<hbm>> -> memref<1000000x32xf32, #tpu.memory_space<hbm>>
    tpu.enqueue_indirect_dma source(%dma_start3A_515 : memref<1000000x32xf32, #tpu.memory_space<hbm>>) target(%dma_start3A_510 : memref<832x32xf32, #tpu.memory_space<vmem>>) offsets(%dma_start3A_512 : memref<832xi32, #tpu.memory_space<vmem>>) semaphore(%arg7 : memref<!tpu.dma_semaphore, #tpu.memory_space<semaphore_mem>>)
    %dma_wait3A_516 = arith.constant 2 : i32
    %dma_wait3A_517 = arith.constant 0 : i32
    %dma_wait3A_518 = arith.constant 0 : i32
    %dma_wait3A_519 = tpu.memref_slice %arg6[%dma_wait3A_516, %dma_wait3A_517, %dma_wait3A_518] : memref<4x832x32xf32, #tpu.memory_space<vmem>> -> memref<1x832x32xf32, #tpu.memory_space<vmem>>
    %dma_wait3A_520 = tpu.memref_squeeze %dma_wait3A_519 : memref<1x832x32xf32, #tpu.memory_space<vmem>> -> memref<832x32xf32, #tpu.memory_space<vmem>>
    %dma_wait3A_521 = arith.constant 8320 : i32
    %dma_wait3A_522 = tpu.memref_slice %arg5[%dma_wait3A_521] : memref<13312xi32, #tpu.memory_space<vmem>> -> memref<832xi32, #tpu.memory_space<vmem>>
    %dma_wait3A_523 = arith.constant 0 : i32
    %dma_wait3A_524 = arith.constant 0 : i32
    %dma_wait3A_525 = tpu.memref_slice %arg3[%dma_wait3A_523, %dma_wait3A_524] : memref<1000000x32xf32, #tpu.memory_space<hbm>> -> memref<1000000x32xf32, #tpu.memory_space<hbm>>
    tpu.wait_indirect_dma semaphore(%arg9 : memref<!tpu.dma_semaphore, #tpu.memory_space<semaphore_mem>>) src(%dma_wait3A_525 : memref<1000000x32xf32, #tpu.memory_space<hbm>>) dst(%dma_wait3A_520 : memref<832x32xf32, #tpu.memory_space<vmem>>)
    %add3A_526 = arith.constant 8320 : i32
    %add3A_527 = arith.addi %mul3A_2, %add3A_526 : i32
    %dma_start3A_528 = arith.constant 2 : i32
    %dma_start3A_529 = arith.constant 0 : i32
    %dma_start3A_530 = arith.constant 0 : i32
    %dma_start3A_531 = tpu.memref_slice %arg6[%dma_start3A_528, %dma_start3A_529, %dma_start3A_530] : memref<4x832x32xf32, #tpu.memory_space<vmem>> -> memref<1x832x32xf32, #tpu.memory_space<vmem>>
    %dma_start3A_532 = tpu.memref_squeeze %dma_start3A_531 : memref<1x832x32xf32, #tpu.memory_space<vmem>> -> memref<832x32xf32, #tpu.memory_space<vmem>>
    %dma_start3A_533 = arith.constant 0 : i32
    %dma_start3A_534 = tpu.memref_slice %arg4[%add3A_527, %dma_start3A_533] : memref<425984x32xf32, #tpu.memory_space<hbm>> -> memref<832x32xf32, #tpu.memory_space<hbm>>
    %dma_start3A_535 = arith.constant 0 : i32
    %dma_start3A_536 = tpu.memref_slice %arg4[%add3A_527, %dma_start3A_535] : memref<425984x32xf32, #tpu.memory_space<hbm>> -> memref<832x32xf32, #tpu.memory_space<hbm>>
    %dma_start3A_537 = arith.constant 0 : i32
    %dma_start3A_538 = arith.constant 0 : i32
    %dma_start3A_539 = tpu.memref_slice %arg6[%dma_start3A_528, %dma_start3A_537, %dma_start3A_538] : memref<4x832x32xf32, #tpu.memory_space<vmem>> -> memref<1x832x32xf32, #tpu.memory_space<vmem>>
    %dma_start3A_540 = tpu.memref_squeeze %dma_start3A_539 : memref<1x832x32xf32, #tpu.memory_space<vmem>> -> memref<832x32xf32, #tpu.memory_space<vmem>>
    tpu.enqueue_dma source(%dma_start3A_540 : memref<832x32xf32, #tpu.memory_space<vmem>>) target(%dma_start3A_536 : memref<832x32xf32, #tpu.memory_space<hbm>>) target_semaphore(%arg11 : memref<!tpu.dma_semaphore, #tpu.memory_space<semaphore_mem>>)
    %add3A_541 = arith.constant 7488 : i32
    %add3A_542 = arith.addi %mul3A_2, %add3A_541 : i32
    %dma_wait3A_543 = arith.constant 1 : i32
    %dma_wait3A_544 = arith.constant 0 : i32
    %dma_wait3A_545 = arith.constant 0 : i32
    %dma_wait3A_546 = tpu.memref_slice %arg6[%dma_wait3A_543, %dma_wait3A_544, %dma_wait3A_545] : memref<4x832x32xf32, #tpu.memory_space<vmem>> -> memref<1x832x32xf32, #tpu.memory_space<vmem>>
    %dma_wait3A_547 = tpu.memref_squeeze %dma_wait3A_546 : memref<1x832x32xf32, #tpu.memory_space<vmem>> -> memref<832x32xf32, #tpu.memory_space<vmem>>
    %dma_wait3A_548 = arith.constant 0 : i32
    %dma_wait3A_549 = tpu.memref_slice %arg4[%add3A_542, %dma_wait3A_548] : memref<425984x32xf32, #tpu.memory_space<hbm>> -> memref<832x32xf32, #tpu.memory_space<hbm>>
    %dma_wait3A_550 = arith.constant 0 : i32
    %dma_wait3A_551 = tpu.memref_slice %arg4[%add3A_542, %dma_wait3A_550] : memref<425984x32xf32, #tpu.memory_space<hbm>> -> memref<832x32xf32, #tpu.memory_space<hbm>>
    %dma_wait3A_552 = arith.constant 0 : i32
    %dma_wait3A_553 = arith.constant 0 : i32
    %dma_wait3A_554 = tpu.memref_slice %arg6[%dma_wait3A_543, %dma_wait3A_552, %dma_wait3A_553] : memref<4x832x32xf32, #tpu.memory_space<vmem>> -> memref<1x832x32xf32, #tpu.memory_space<vmem>>
    %dma_wait3A_555 = tpu.memref_squeeze %dma_wait3A_554 : memref<1x832x32xf32, #tpu.memory_space<vmem>> -> memref<832x32xf32, #tpu.memory_space<vmem>>
    tpu.wait_dma2 semaphore(%arg11 : memref<!tpu.dma_semaphore, #tpu.memory_space<semaphore_mem>>) src(%dma_wait3A_555 : memref<832x32xf32, #tpu.memory_space<vmem>>) dst(%dma_wait3A_551 : memref<832x32xf32, #tpu.memory_space<hbm>>)
    %dma_start3A_556 = arith.constant 1 : i32
    %dma_start3A_557 = arith.constant 0 : i32
    %dma_start3A_558 = arith.constant 0 : i32
    %dma_start3A_559 = tpu.memref_slice %arg6[%dma_start3A_556, %dma_start3A_557, %dma_start3A_558] : memref<4x832x32xf32, #tpu.memory_space<vmem>> -> memref<1x832x32xf32, #tpu.memory_space<vmem>>
    %dma_start3A_560 = tpu.memref_squeeze %dma_start3A_559 : memref<1x832x32xf32, #tpu.memory_space<vmem>> -> memref<832x32xf32, #tpu.memory_space<vmem>>
    %dma_start3A_561 = arith.constant 10816 : i32
    %dma_start3A_562 = tpu.memref_slice %arg5[%dma_start3A_561] : memref<13312xi32, #tpu.memory_space<vmem>> -> memref<832xi32, #tpu.memory_space<vmem>>
    %dma_start3A_563 = arith.constant 0 : i32
    %dma_start3A_564 = arith.constant 0 : i32
    %dma_start3A_565 = tpu.memref_slice %arg3[%dma_start3A_563, %dma_start3A_564] : memref<1000000x32xf32, #tpu.memory_space<hbm>> -> memref<1000000x32xf32, #tpu.memory_space<hbm>>
    tpu.enqueue_indirect_dma source(%dma_start3A_565 : memref<1000000x32xf32, #tpu.memory_space<hbm>>) target(%dma_start3A_560 : memref<832x32xf32, #tpu.memory_space<vmem>>) offsets(%dma_start3A_562 : memref<832xi32, #tpu.memory_space<vmem>>) semaphore(%arg8 : memref<!tpu.dma_semaphore, #tpu.memory_space<semaphore_mem>>)
    %dma_wait3A_566 = arith.constant 3 : i32
    %dma_wait3A_567 = arith.constant 0 : i32
    %dma_wait3A_568 = arith.constant 0 : i32
    %dma_wait3A_569 = tpu.memref_slice %arg6[%dma_wait3A_566, %dma_wait3A_567, %dma_wait3A_568] : memref<4x832x32xf32, #tpu.memory_space<vmem>> -> memref<1x832x32xf32, #tpu.memory_space<vmem>>
    %dma_wait3A_570 = tpu.memref_squeeze %dma_wait3A_569 : memref<1x832x32xf32, #tpu.memory_space<vmem>> -> memref<832x32xf32, #tpu.memory_space<vmem>>
    %dma_wait3A_571 = arith.constant 9152 : i32
    %dma_wait3A_572 = tpu.memref_slice %arg5[%dma_wait3A_571] : memref<13312xi32, #tpu.memory_space<vmem>> -> memref<832xi32, #tpu.memory_space<vmem>>
    %dma_wait3A_573 = arith.constant 0 : i32
    %dma_wait3A_574 = arith.constant 0 : i32
    %dma_wait3A_575 = tpu.memref_slice %arg3[%dma_wait3A_573, %dma_wait3A_574] : memref<1000000x32xf32, #tpu.memory_space<hbm>> -> memref<1000000x32xf32, #tpu.memory_space<hbm>>
    tpu.wait_indirect_dma semaphore(%arg10 : memref<!tpu.dma_semaphore, #tpu.memory_space<semaphore_mem>>) src(%dma_wait3A_575 : memref<1000000x32xf32, #tpu.memory_space<hbm>>) dst(%dma_wait3A_570 : memref<832x32xf32, #tpu.memory_space<vmem>>)
    %add3A_576 = arith.constant 9152 : i32
    %add3A_577 = arith.addi %mul3A_2, %add3A_576 : i32
    %dma_start3A_578 = arith.constant 3 : i32
    %dma_start3A_579 = arith.constant 0 : i32
    %dma_start3A_580 = arith.constant 0 : i32
    %dma_start3A_581 = tpu.memref_slice %arg6[%dma_start3A_578, %dma_start3A_579, %dma_start3A_580] : memref<4x832x32xf32, #tpu.memory_space<vmem>> -> memref<1x832x32xf32, #tpu.memory_space<vmem>>
    %dma_start3A_582 = tpu.memref_squeeze %dma_start3A_581 : memref<1x832x32xf32, #tpu.memory_space<vmem>> -> memref<832x32xf32, #tpu.memory_space<vmem>>
    %dma_start3A_583 = arith.constant 0 : i32
    %dma_start3A_584 = tpu.memref_slice %arg4[%add3A_577, %dma_start3A_583] : memref<425984x32xf32, #tpu.memory_space<hbm>> -> memref<832x32xf32, #tpu.memory_space<hbm>>
    %dma_start3A_585 = arith.constant 0 : i32
    %dma_start3A_586 = tpu.memref_slice %arg4[%add3A_577, %dma_start3A_585] : memref<425984x32xf32, #tpu.memory_space<hbm>> -> memref<832x32xf32, #tpu.memory_space<hbm>>
    %dma_start3A_587 = arith.constant 0 : i32
    %dma_start3A_588 = arith.constant 0 : i32
    %dma_start3A_589 = tpu.memref_slice %arg6[%dma_start3A_578, %dma_start3A_587, %dma_start3A_588] : memref<4x832x32xf32, #tpu.memory_space<vmem>> -> memref<1x832x32xf32, #tpu.memory_space<vmem>>
    %dma_start3A_590 = tpu.memref_squeeze %dma_start3A_589 : memref<1x832x32xf32, #tpu.memory_space<vmem>> -> memref<832x32xf32, #tpu.memory_space<vmem>>
    tpu.enqueue_dma source(%dma_start3A_590 : memref<832x32xf32, #tpu.memory_space<vmem>>) target(%dma_start3A_586 : memref<832x32xf32, #tpu.memory_space<hbm>>) target_semaphore(%arg11 : memref<!tpu.dma_semaphore, #tpu.memory_space<semaphore_mem>>)
    %add3A_591 = arith.constant 8320 : i32
    %add3A_592 = arith.addi %mul3A_2, %add3A_591 : i32
    %dma_wait3A_593 = arith.constant 2 : i32
    %dma_wait3A_594 = arith.constant 0 : i32
    %dma_wait3A_595 = arith.constant 0 : i32
    %dma_wait3A_596 = tpu.memref_slice %arg6[%dma_wait3A_593, %dma_wait3A_594, %dma_wait3A_595] : memref<4x832x32xf32, #tpu.memory_space<vmem>> -> memref<1x832x32xf32, #tpu.memory_space<vmem>>
    %dma_wait3A_597 = tpu.memref_squeeze %dma_wait3A_596 : memref<1x832x32xf32, #tpu.memory_space<vmem>> -> memref<832x32xf32, #tpu.memory_space<vmem>>
    %dma_wait3A_598 = arith.constant 0 : i32
    %dma_wait3A_599 = tpu.memref_slice %arg4[%add3A_592, %dma_wait3A_598] : memref<425984x32xf32, #tpu.memory_space<hbm>> -> memref<832x32xf32, #tpu.memory_space<hbm>>
    %dma_wait3A_600 = arith.constant 0 : i32
    %dma_wait3A_601 = tpu.memref_slice %arg4[%add3A_592, %dma_wait3A_600] : memref<425984x32xf32, #tpu.memory_space<hbm>> -> memref<832x32xf32, #tpu.memory_space<hbm>>
    %dma_wait3A_602 = arith.constant 0 : i32
    %dma_wait3A_603 = arith.constant 0 : i32
    %dma_wait3A_604 = tpu.memref_slice %arg6[%dma_wait3A_593, %dma_wait3A_602, %dma_wait3A_603] : memref<4x832x32xf32, #tpu.memory_space<vmem>> -> memref<1x832x32xf32, #tpu.memory_space<vmem>>
    %dma_wait3A_605 = tpu.memref_squeeze %dma_wait3A_604 : memref<1x832x32xf32, #tpu.memory_space<vmem>> -> memref<832x32xf32, #tpu.memory_space<vmem>>
    tpu.wait_dma2 semaphore(%arg11 : memref<!tpu.dma_semaphore, #tpu.memory_space<semaphore_mem>>) src(%dma_wait3A_605 : memref<832x32xf32, #tpu.memory_space<vmem>>) dst(%dma_wait3A_601 : memref<832x32xf32, #tpu.memory_space<hbm>>)
    %dma_start3A_606 = arith.constant 2 : i32
    %dma_start3A_607 = arith.constant 0 : i32
    %dma_start3A_608 = arith.constant 0 : i32
    %dma_start3A_609 = tpu.memref_slice %arg6[%dma_start3A_606, %dma_start3A_607, %dma_start3A_608] : memref<4x832x32xf32, #tpu.memory_space<vmem>> -> memref<1x832x32xf32, #tpu.memory_space<vmem>>
    %dma_start3A_610 = tpu.memref_squeeze %dma_start3A_609 : memref<1x832x32xf32, #tpu.memory_space<vmem>> -> memref<832x32xf32, #tpu.memory_space<vmem>>
    %dma_start3A_611 = arith.constant 11648 : i32
    %dma_start3A_612 = tpu.memref_slice %arg5[%dma_start3A_611] : memref<13312xi32, #tpu.memory_space<vmem>> -> memref<832xi32, #tpu.memory_space<vmem>>
    %dma_start3A_613 = arith.constant 0 : i32
    %dma_start3A_614 = arith.constant 0 : i32
    %dma_start3A_615 = tpu.memref_slice %arg3[%dma_start3A_613, %dma_start3A_614] : memref<1000000x32xf32, #tpu.memory_space<hbm>> -> memref<1000000x32xf32, #tpu.memory_space<hbm>>
    tpu.enqueue_indirect_dma source(%dma_start3A_615 : memref<1000000x32xf32, #tpu.memory_space<hbm>>) target(%dma_start3A_610 : memref<832x32xf32, #tpu.memory_space<vmem>>) offsets(%dma_start3A_612 : memref<832xi32, #tpu.memory_space<vmem>>) semaphore(%arg9 : memref<!tpu.dma_semaphore, #tpu.memory_space<semaphore_mem>>)
    %dma_wait3A_616 = arith.constant 0 : i32
    %dma_wait3A_617 = arith.constant 0 : i32
    %dma_wait3A_618 = arith.constant 0 : i32
    %dma_wait3A_619 = tpu.memref_slice %arg6[%dma_wait3A_616, %dma_wait3A_617, %dma_wait3A_618] : memref<4x832x32xf32, #tpu.memory_space<vmem>> -> memref<1x832x32xf32, #tpu.memory_space<vmem>>
    %dma_wait3A_620 = tpu.memref_squeeze %dma_wait3A_619 : memref<1x832x32xf32, #tpu.memory_space<vmem>> -> memref<832x32xf32, #tpu.memory_space<vmem>>
    %dma_wait3A_621 = arith.constant 9984 : i32
    %dma_wait3A_622 = tpu.memref_slice %arg5[%dma_wait3A_621] : memref<13312xi32, #tpu.memory_space<vmem>> -> memref<832xi32, #tpu.memory_space<vmem>>
    %dma_wait3A_623 = arith.constant 0 : i32
    %dma_wait3A_624 = arith.constant 0 : i32
    %dma_wait3A_625 = tpu.memref_slice %arg3[%dma_wait3A_623, %dma_wait3A_624] : memref<1000000x32xf32, #tpu.memory_space<hbm>> -> memref<1000000x32xf32, #tpu.memory_space<hbm>>
    tpu.wait_indirect_dma semaphore(%arg7 : memref<!tpu.dma_semaphore, #tpu.memory_space<semaphore_mem>>) src(%dma_wait3A_625 : memref<1000000x32xf32, #tpu.memory_space<hbm>>) dst(%dma_wait3A_620 : memref<832x32xf32, #tpu.memory_space<vmem>>)
    %add3A_626 = arith.constant 9984 : i32
    %add3A_627 = arith.addi %mul3A_2, %add3A_626 : i32
    %dma_start3A_628 = arith.constant 0 : i32
    %dma_start3A_629 = arith.constant 0 : i32
    %dma_start3A_630 = arith.constant 0 : i32
    %dma_start3A_631 = tpu.memref_slice %arg6[%dma_start3A_628, %dma_start3A_629, %dma_start3A_630] : memref<4x832x32xf32, #tpu.memory_space<vmem>> -> memref<1x832x32xf32, #tpu.memory_space<vmem>>
    %dma_start3A_632 = tpu.memref_squeeze %dma_start3A_631 : memref<1x832x32xf32, #tpu.memory_space<vmem>> -> memref<832x32xf32, #tpu.memory_space<vmem>>
    %dma_start3A_633 = arith.constant 0 : i32
    %dma_start3A_634 = tpu.memref_slice %arg4[%add3A_627, %dma_start3A_633] : memref<425984x32xf32, #tpu.memory_space<hbm>> -> memref<832x32xf32, #tpu.memory_space<hbm>>
    %dma_start3A_635 = arith.constant 0 : i32
    %dma_start3A_636 = tpu.memref_slice %arg4[%add3A_627, %dma_start3A_635] : memref<425984x32xf32, #tpu.memory_space<hbm>> -> memref<832x32xf32, #tpu.memory_space<hbm>>
    %dma_start3A_637 = arith.constant 0 : i32
    %dma_start3A_638 = arith.constant 0 : i32
    %dma_start3A_639 = tpu.memref_slice %arg6[%dma_start3A_628, %dma_start3A_637, %dma_start3A_638] : memref<4x832x32xf32, #tpu.memory_space<vmem>> -> memref<1x832x32xf32, #tpu.memory_space<vmem>>
    %dma_start3A_640 = tpu.memref_squeeze %dma_start3A_639 : memref<1x832x32xf32, #tpu.memory_space<vmem>> -> memref<832x32xf32, #tpu.memory_space<vmem>>
    tpu.enqueue_dma source(%dma_start3A_640 : memref<832x32xf32, #tpu.memory_space<vmem>>) target(%dma_start3A_636 : memref<832x32xf32, #tpu.memory_space<hbm>>) target_semaphore(%arg11 : memref<!tpu.dma_semaphore, #tpu.memory_space<semaphore_mem>>)
    %add3A_641 = arith.constant 9152 : i32
    %add3A_642 = arith.addi %mul3A_2, %add3A_641 : i32
    %dma_wait3A_643 = arith.constant 3 : i32
    %dma_wait3A_644 = arith.constant 0 : i32
    %dma_wait3A_645 = arith.constant 0 : i32
    %dma_wait3A_646 = tpu.memref_slice %arg6[%dma_wait3A_643, %dma_wait3A_644, %dma_wait3A_645] : memref<4x832x32xf32, #tpu.memory_space<vmem>> -> memref<1x832x32xf32, #tpu.memory_space<vmem>>
    %dma_wait3A_647 = tpu.memref_squeeze %dma_wait3A_646 : memref<1x832x32xf32, #tpu.memory_space<vmem>> -> memref<832x32xf32, #tpu.memory_space<vmem>>
    %dma_wait3A_648 = arith.constant 0 : i32
    %dma_wait3A_649 = tpu.memref_slice %arg4[%add3A_642, %dma_wait3A_648] : memref<425984x32xf32, #tpu.memory_space<hbm>> -> memref<832x32xf32, #tpu.memory_space<hbm>>
    %dma_wait3A_650 = arith.constant 0 : i32
    %dma_wait3A_651 = tpu.memref_slice %arg4[%add3A_642, %dma_wait3A_650] : memref<425984x32xf32, #tpu.memory_space<hbm>> -> memref<832x32xf32, #tpu.memory_space<hbm>>
    %dma_wait3A_652 = arith.constant 0 : i32
    %dma_wait3A_653 = arith.constant 0 : i32
    %dma_wait3A_654 = tpu.memref_slice %arg6[%dma_wait3A_643, %dma_wait3A_652, %dma_wait3A_653] : memref<4x832x32xf32, #tpu.memory_space<vmem>> -> memref<1x832x32xf32, #tpu.memory_space<vmem>>
    %dma_wait3A_655 = tpu.memref_squeeze %dma_wait3A_654 : memref<1x832x32xf32, #tpu.memory_space<vmem>> -> memref<832x32xf32, #tpu.memory_space<vmem>>
    tpu.wait_dma2 semaphore(%arg11 : memref<!tpu.dma_semaphore, #tpu.memory_space<semaphore_mem>>) src(%dma_wait3A_655 : memref<832x32xf32, #tpu.memory_space<vmem>>) dst(%dma_wait3A_651 : memref<832x32xf32, #tpu.memory_space<hbm>>)
    %dma_start3A_656 = arith.constant 3 : i32
    %dma_start3A_657 = arith.constant 0 : i32
    %dma_start3A_658 = arith.constant 0 : i32
    %dma_start3A_659 = tpu.memref_slice %arg6[%dma_start3A_656, %dma_start3A_657, %dma_start3A_658] : memref<4x832x32xf32, #tpu.memory_space<vmem>> -> memref<1x832x32xf32, #tpu.memory_space<vmem>>
    %dma_start3A_660 = tpu.memref_squeeze %dma_start3A_659 : memref<1x832x32xf32, #tpu.memory_space<vmem>> -> memref<832x32xf32, #tpu.memory_space<vmem>>
    %dma_start3A_661 = arith.constant 12480 : i32
    %dma_start3A_662 = tpu.memref_slice %arg5[%dma_start3A_661] : memref<13312xi32, #tpu.memory_space<vmem>> -> memref<832xi32, #tpu.memory_space<vmem>>
    %dma_start3A_663 = arith.constant 0 : i32
    %dma_start3A_664 = arith.constant 0 : i32
    %dma_start3A_665 = tpu.memref_slice %arg3[%dma_start3A_663, %dma_start3A_664] : memref<1000000x32xf32, #tpu.memory_space<hbm>> -> memref<1000000x32xf32, #tpu.memory_space<hbm>>
    tpu.enqueue_indirect_dma source(%dma_start3A_665 : memref<1000000x32xf32, #tpu.memory_space<hbm>>) target(%dma_start3A_660 : memref<832x32xf32, #tpu.memory_space<vmem>>) offsets(%dma_start3A_662 : memref<832xi32, #tpu.memory_space<vmem>>) semaphore(%arg10 : memref<!tpu.dma_semaphore, #tpu.memory_space<semaphore_mem>>)
    %dma_wait3A_666 = arith.constant 1 : i32
    %dma_wait3A_667 = arith.constant 0 : i32
    %dma_wait3A_668 = arith.constant 0 : i32
    %dma_wait3A_669 = tpu.memref_slice %arg6[%dma_wait3A_666, %dma_wait3A_667, %dma_wait3A_668] : memref<4x832x32xf32, #tpu.memory_space<vmem>> -> memref<1x832x32xf32, #tpu.memory_space<vmem>>
    %dma_wait3A_670 = tpu.memref_squeeze %dma_wait3A_669 : memref<1x832x32xf32, #tpu.memory_space<vmem>> -> memref<832x32xf32, #tpu.memory_space<vmem>>
    %dma_wait3A_671 = arith.constant 10816 : i32
    %dma_wait3A_672 = tpu.memref_slice %arg5[%dma_wait3A_671] : memref<13312xi32, #tpu.memory_space<vmem>> -> memref<832xi32, #tpu.memory_space<vmem>>
    %dma_wait3A_673 = arith.constant 0 : i32
    %dma_wait3A_674 = arith.constant 0 : i32
    %dma_wait3A_675 = tpu.memref_slice %arg3[%dma_wait3A_673, %dma_wait3A_674] : memref<1000000x32xf32, #tpu.memory_space<hbm>> -> memref<1000000x32xf32, #tpu.memory_space<hbm>>
    tpu.wait_indirect_dma semaphore(%arg8 : memref<!tpu.dma_semaphore, #tpu.memory_space<semaphore_mem>>) src(%dma_wait3A_675 : memref<1000000x32xf32, #tpu.memory_space<hbm>>) dst(%dma_wait3A_670 : memref<832x32xf32, #tpu.memory_space<vmem>>)
    %add3A_676 = arith.constant 10816 : i32
    %add3A_677 = arith.addi %mul3A_2, %add3A_676 : i32
    %dma_start3A_678 = arith.constant 1 : i32
    %dma_start3A_679 = arith.constant 0 : i32
    %dma_start3A_680 = arith.constant 0 : i32
    %dma_start3A_681 = tpu.memref_slice %arg6[%dma_start3A_678, %dma_start3A_679, %dma_start3A_680] : memref<4x832x32xf32, #tpu.memory_space<vmem>> -> memref<1x832x32xf32, #tpu.memory_space<vmem>>
    %dma_start3A_682 = tpu.memref_squeeze %dma_start3A_681 : memref<1x832x32xf32, #tpu.memory_space<vmem>> -> memref<832x32xf32, #tpu.memory_space<vmem>>
    %dma_start3A_683 = arith.constant 0 : i32
    %dma_start3A_684 = tpu.memref_slice %arg4[%add3A_677, %dma_start3A_683] : memref<425984x32xf32, #tpu.memory_space<hbm>> -> memref<832x32xf32, #tpu.memory_space<hbm>>
    %dma_start3A_685 = arith.constant 0 : i32
    %dma_start3A_686 = tpu.memref_slice %arg4[%add3A_677, %dma_start3A_685] : memref<425984x32xf32, #tpu.memory_space<hbm>> -> memref<832x32xf32, #tpu.memory_space<hbm>>
    %dma_start3A_687 = arith.constant 0 : i32
    %dma_start3A_688 = arith.constant 0 : i32
    %dma_start3A_689 = tpu.memref_slice %arg6[%dma_start3A_678, %dma_start3A_687, %dma_start3A_688] : memref<4x832x32xf32, #tpu.memory_space<vmem>> -> memref<1x832x32xf32, #tpu.memory_space<vmem>>
    %dma_start3A_690 = tpu.memref_squeeze %dma_start3A_689 : memref<1x832x32xf32, #tpu.memory_space<vmem>> -> memref<832x32xf32, #tpu.memory_space<vmem>>
    tpu.enqueue_dma source(%dma_start3A_690 : memref<832x32xf32, #tpu.memory_space<vmem>>) target(%dma_start3A_686 : memref<832x32xf32, #tpu.memory_space<hbm>>) target_semaphore(%arg11 : memref<!tpu.dma_semaphore, #tpu.memory_space<semaphore_mem>>)
    %dma_wait3A_691 = arith.constant 2 : i32
    %dma_wait3A_692 = arith.constant 0 : i32
    %dma_wait3A_693 = arith.constant 0 : i32
    %dma_wait3A_694 = tpu.memref_slice %arg6[%dma_wait3A_691, %dma_wait3A_692, %dma_wait3A_693] : memref<4x832x32xf32, #tpu.memory_space<vmem>> -> memref<1x832x32xf32, #tpu.memory_space<vmem>>
    %dma_wait3A_695 = tpu.memref_squeeze %dma_wait3A_694 : memref<1x832x32xf32, #tpu.memory_space<vmem>> -> memref<832x32xf32, #tpu.memory_space<vmem>>
    %dma_wait3A_696 = arith.constant 11648 : i32
    %dma_wait3A_697 = tpu.memref_slice %arg5[%dma_wait3A_696] : memref<13312xi32, #tpu.memory_space<vmem>> -> memref<832xi32, #tpu.memory_space<vmem>>
    %dma_wait3A_698 = arith.constant 0 : i32
    %dma_wait3A_699 = arith.constant 0 : i32
    %dma_wait3A_700 = tpu.memref_slice %arg3[%dma_wait3A_698, %dma_wait3A_699] : memref<1000000x32xf32, #tpu.memory_space<hbm>> -> memref<1000000x32xf32, #tpu.memory_space<hbm>>
    tpu.wait_indirect_dma semaphore(%arg9 : memref<!tpu.dma_semaphore, #tpu.memory_space<semaphore_mem>>) src(%dma_wait3A_700 : memref<1000000x32xf32, #tpu.memory_space<hbm>>) dst(%dma_wait3A_695 : memref<832x32xf32, #tpu.memory_space<vmem>>)
    %add3A_701 = arith.constant 11648 : i32
    %add3A_702 = arith.addi %mul3A_2, %add3A_701 : i32
    %dma_start3A_703 = arith.constant 2 : i32
    %dma_start3A_704 = arith.constant 0 : i32
    %dma_start3A_705 = arith.constant 0 : i32
    %dma_start3A_706 = tpu.memref_slice %arg6[%dma_start3A_703, %dma_start3A_704, %dma_start3A_705] : memref<4x832x32xf32, #tpu.memory_space<vmem>> -> memref<1x832x32xf32, #tpu.memory_space<vmem>>
    %dma_start3A_707 = tpu.memref_squeeze %dma_start3A_706 : memref<1x832x32xf32, #tpu.memory_space<vmem>> -> memref<832x32xf32, #tpu.memory_space<vmem>>
    %dma_start3A_708 = arith.constant 0 : i32
    %dma_start3A_709 = tpu.memref_slice %arg4[%add3A_702, %dma_start3A_708] : memref<425984x32xf32, #tpu.memory_space<hbm>> -> memref<832x32xf32, #tpu.memory_space<hbm>>
    %dma_start3A_710 = arith.constant 0 : i32
    %dma_start3A_711 = tpu.memref_slice %arg4[%add3A_702, %dma_start3A_710] : memref<425984x32xf32, #tpu.memory_space<hbm>> -> memref<832x32xf32, #tpu.memory_space<hbm>>
    %dma_start3A_712 = arith.constant 0 : i32
    %dma_start3A_713 = arith.constant 0 : i32
    %dma_start3A_714 = tpu.memref_slice %arg6[%dma_start3A_703, %dma_start3A_712, %dma_start3A_713] : memref<4x832x32xf32, #tpu.memory_space<vmem>> -> memref<1x832x32xf32, #tpu.memory_space<vmem>>
    %dma_start3A_715 = tpu.memref_squeeze %dma_start3A_714 : memref<1x832x32xf32, #tpu.memory_space<vmem>> -> memref<832x32xf32, #tpu.memory_space<vmem>>
    tpu.enqueue_dma source(%dma_start3A_715 : memref<832x32xf32, #tpu.memory_space<vmem>>) target(%dma_start3A_711 : memref<832x32xf32, #tpu.memory_space<hbm>>) target_semaphore(%arg11 : memref<!tpu.dma_semaphore, #tpu.memory_space<semaphore_mem>>)
    %dma_wait3A_716 = arith.constant 3 : i32
    %dma_wait3A_717 = arith.constant 0 : i32
    %dma_wait3A_718 = arith.constant 0 : i32
    %dma_wait3A_719 = tpu.memref_slice %arg6[%dma_wait3A_716, %dma_wait3A_717, %dma_wait3A_718] : memref<4x832x32xf32, #tpu.memory_space<vmem>> -> memref<1x832x32xf32, #tpu.memory_space<vmem>>
    %dma_wait3A_720 = tpu.memref_squeeze %dma_wait3A_719 : memref<1x832x32xf32, #tpu.memory_space<vmem>> -> memref<832x32xf32, #tpu.memory_space<vmem>>
    %dma_wait3A_721 = arith.constant 12480 : i32
    %dma_wait3A_722 = tpu.memref_slice %arg5[%dma_wait3A_721] : memref<13312xi32, #tpu.memory_space<vmem>> -> memref<832xi32, #tpu.memory_space<vmem>>
    %dma_wait3A_723 = arith.constant 0 : i32
    %dma_wait3A_724 = arith.constant 0 : i32
    %dma_wait3A_725 = tpu.memref_slice %arg3[%dma_wait3A_723, %dma_wait3A_724] : memref<1000000x32xf32, #tpu.memory_space<hbm>> -> memref<1000000x32xf32, #tpu.memory_space<hbm>>
    tpu.wait_indirect_dma semaphore(%arg10 : memref<!tpu.dma_semaphore, #tpu.memory_space<semaphore_mem>>) src(%dma_wait3A_725 : memref<1000000x32xf32, #tpu.memory_space<hbm>>) dst(%dma_wait3A_720 : memref<832x32xf32, #tpu.memory_space<vmem>>)
    %add3A_726 = arith.constant 12480 : i32
    %add3A_727 = arith.addi %mul3A_2, %add3A_726 : i32
    %dma_start3A_728 = arith.constant 3 : i32
    %dma_start3A_729 = arith.constant 0 : i32
    %dma_start3A_730 = arith.constant 0 : i32
    %dma_start3A_731 = tpu.memref_slice %arg6[%dma_start3A_728, %dma_start3A_729, %dma_start3A_730] : memref<4x832x32xf32, #tpu.memory_space<vmem>> -> memref<1x832x32xf32, #tpu.memory_space<vmem>>
    %dma_start3A_732 = tpu.memref_squeeze %dma_start3A_731 : memref<1x832x32xf32, #tpu.memory_space<vmem>> -> memref<832x32xf32, #tpu.memory_space<vmem>>
    %dma_start3A_733 = arith.constant 0 : i32
    %dma_start3A_734 = tpu.memref_slice %arg4[%add3A_727, %dma_start3A_733] : memref<425984x32xf32, #tpu.memory_space<hbm>> -> memref<832x32xf32, #tpu.memory_space<hbm>>
    %dma_start3A_735 = arith.constant 0 : i32
    %dma_start3A_736 = tpu.memref_slice %arg4[%add3A_727, %dma_start3A_735] : memref<425984x32xf32, #tpu.memory_space<hbm>> -> memref<832x32xf32, #tpu.memory_space<hbm>>
    %dma_start3A_737 = arith.constant 0 : i32
    %dma_start3A_738 = arith.constant 0 : i32
    %dma_start3A_739 = tpu.memref_slice %arg6[%dma_start3A_728, %dma_start3A_737, %dma_start3A_738] : memref<4x832x32xf32, #tpu.memory_space<vmem>> -> memref<1x832x32xf32, #tpu.memory_space<vmem>>
    %dma_start3A_740 = tpu.memref_squeeze %dma_start3A_739 : memref<1x832x32xf32, #tpu.memory_space<vmem>> -> memref<832x32xf32, #tpu.memory_space<vmem>>
    tpu.enqueue_dma source(%dma_start3A_740 : memref<832x32xf32, #tpu.memory_space<vmem>>) target(%dma_start3A_736 : memref<832x32xf32, #tpu.memory_space<hbm>>) target_semaphore(%arg11 : memref<!tpu.dma_semaphore, #tpu.memory_space<semaphore_mem>>)
    %add3A_741 = arith.constant 9984 : i32
    %add3A_742 = arith.addi %mul3A_2, %add3A_741 : i32
    %dma_wait3A_743 = arith.constant 0 : i32
    %dma_wait3A_744 = arith.constant 0 : i32
    %dma_wait3A_745 = arith.constant 0 : i32
    %dma_wait3A_746 = tpu.memref_slice %arg6[%dma_wait3A_743, %dma_wait3A_744, %dma_wait3A_745] : memref<4x832x32xf32, #tpu.memory_space<vmem>> -> memref<1x832x32xf32, #tpu.memory_space<vmem>>
    %dma_wait3A_747 = tpu.memref_squeeze %dma_wait3A_746 : memref<1x832x32xf32, #tpu.memory_space<vmem>> -> memref<832x32xf32, #tpu.memory_space<vmem>>
    %dma_wait3A_748 = arith.constant 0 : i32
    %dma_wait3A_749 = tpu.memref_slice %arg4[%add3A_742, %dma_wait3A_748] : memref<425984x32xf32, #tpu.memory_space<hbm>> -> memref<832x32xf32, #tpu.memory_space<hbm>>
    %dma_wait3A_750 = arith.constant 0 : i32
    %dma_wait3A_751 = tpu.memref_slice %arg4[%add3A_742, %dma_wait3A_750] : memref<425984x32xf32, #tpu.memory_space<hbm>> -> memref<832x32xf32, #tpu.memory_space<hbm>>
    %dma_wait3A_752 = arith.constant 0 : i32
    %dma_wait3A_753 = arith.constant 0 : i32
    %dma_wait3A_754 = tpu.memref_slice %arg6[%dma_wait3A_743, %dma_wait3A_752, %dma_wait3A_753] : memref<4x832x32xf32, #tpu.memory_space<vmem>> -> memref<1x832x32xf32, #tpu.memory_space<vmem>>
    %dma_wait3A_755 = tpu.memref_squeeze %dma_wait3A_754 : memref<1x832x32xf32, #tpu.memory_space<vmem>> -> memref<832x32xf32, #tpu.memory_space<vmem>>
    tpu.wait_dma2 semaphore(%arg11 : memref<!tpu.dma_semaphore, #tpu.memory_space<semaphore_mem>>) src(%dma_wait3A_755 : memref<832x32xf32, #tpu.memory_space<vmem>>) dst(%dma_wait3A_751 : memref<832x32xf32, #tpu.memory_space<hbm>>)
    %add3A_756 = arith.constant 10816 : i32
    %add3A_757 = arith.addi %mul3A_2, %add3A_756 : i32
    %dma_wait3A_758 = arith.constant 1 : i32
    %dma_wait3A_759 = arith.constant 0 : i32
    %dma_wait3A_760 = arith.constant 0 : i32
    %dma_wait3A_761 = tpu.memref_slice %arg6[%dma_wait3A_758, %dma_wait3A_759, %dma_wait3A_760] : memref<4x832x32xf32, #tpu.memory_space<vmem>> -> memref<1x832x32xf32, #tpu.memory_space<vmem>>
    %dma_wait3A_762 = tpu.memref_squeeze %dma_wait3A_761 : memref<1x832x32xf32, #tpu.memory_space<vmem>> -> memref<832x32xf32, #tpu.memory_space<vmem>>
    %dma_wait3A_763 = arith.constant 0 : i32
    %dma_wait3A_764 = tpu.memref_slice %arg4[%add3A_757, %dma_wait3A_763] : memref<425984x32xf32, #tpu.memory_space<hbm>> -> memref<832x32xf32, #tpu.memory_space<hbm>>
    %dma_wait3A_765 = arith.constant 0 : i32
    %dma_wait3A_766 = tpu.memref_slice %arg4[%add3A_757, %dma_wait3A_765] : memref<425984x32xf32, #tpu.memory_space<hbm>> -> memref<832x32xf32, #tpu.memory_space<hbm>>
    %dma_wait3A_767 = arith.constant 0 : i32
    %dma_wait3A_768 = arith.constant 0 : i32
    %dma_wait3A_769 = tpu.memref_slice %arg6[%dma_wait3A_758, %dma_wait3A_767, %dma_wait3A_768] : memref<4x832x32xf32, #tpu.memory_space<vmem>> -> memref<1x832x32xf32, #tpu.memory_space<vmem>>
    %dma_wait3A_770 = tpu.memref_squeeze %dma_wait3A_769 : memref<1x832x32xf32, #tpu.memory_space<vmem>> -> memref<832x32xf32, #tpu.memory_space<vmem>>
    tpu.wait_dma2 semaphore(%arg11 : memref<!tpu.dma_semaphore, #tpu.memory_space<semaphore_mem>>) src(%dma_wait3A_770 : memref<832x32xf32, #tpu.memory_space<vmem>>) dst(%dma_wait3A_766 : memref<832x32xf32, #tpu.memory_space<hbm>>)
    %add3A_771 = arith.constant 11648 : i32
    %add3A_772 = arith.addi %mul3A_2, %add3A_771 : i32
    %dma_wait3A_773 = arith.constant 2 : i32
    %dma_wait3A_774 = arith.constant 0 : i32
    %dma_wait3A_775 = arith.constant 0 : i32
    %dma_wait3A_776 = tpu.memref_slice %arg6[%dma_wait3A_773, %dma_wait3A_774, %dma_wait3A_775] : memref<4x832x32xf32, #tpu.memory_space<vmem>> -> memref<1x832x32xf32, #tpu.memory_space<vmem>>
    %dma_wait3A_777 = tpu.memref_squeeze %dma_wait3A_776 : memref<1x832x32xf32, #tpu.memory_space<vmem>> -> memref<832x32xf32, #tpu.memory_space<vmem>>
    %dma_wait3A_778 = arith.constant 0 : i32
    %dma_wait3A_779 = tpu.memref_slice %arg4[%add3A_772, %dma_wait3A_778] : memref<425984x32xf32, #tpu.memory_space<hbm>> -> memref<832x32xf32, #tpu.memory_space<hbm>>
    %dma_wait3A_780 = arith.constant 0 : i32
    %dma_wait3A_781 = tpu.memref_slice %arg4[%add3A_772, %dma_wait3A_780] : memref<425984x32xf32, #tpu.memory_space<hbm>> -> memref<832x32xf32, #tpu.memory_space<hbm>>
    %dma_wait3A_782 = arith.constant 0 : i32
    %dma_wait3A_783 = arith.constant 0 : i32
    %dma_wait3A_784 = tpu.memref_slice %arg6[%dma_wait3A_773, %dma_wait3A_782, %dma_wait3A_783] : memref<4x832x32xf32, #tpu.memory_space<vmem>> -> memref<1x832x32xf32, #tpu.memory_space<vmem>>
    %dma_wait3A_785 = tpu.memref_squeeze %dma_wait3A_784 : memref<1x832x32xf32, #tpu.memory_space<vmem>> -> memref<832x32xf32, #tpu.memory_space<vmem>>
    tpu.wait_dma2 semaphore(%arg11 : memref<!tpu.dma_semaphore, #tpu.memory_space<semaphore_mem>>) src(%dma_wait3A_785 : memref<832x32xf32, #tpu.memory_space<vmem>>) dst(%dma_wait3A_781 : memref<832x32xf32, #tpu.memory_space<hbm>>)
    %add3A_786 = arith.constant 12480 : i32
    %add3A_787 = arith.addi %mul3A_2, %add3A_786 : i32
    %dma_wait3A_788 = arith.constant 3 : i32
    %dma_wait3A_789 = arith.constant 0 : i32
    %dma_wait3A_790 = arith.constant 0 : i32
    %dma_wait3A_791 = tpu.memref_slice %arg6[%dma_wait3A_788, %dma_wait3A_789, %dma_wait3A_790] : memref<4x832x32xf32, #tpu.memory_space<vmem>> -> memref<1x832x32xf32, #tpu.memory_space<vmem>>
    %dma_wait3A_792 = tpu.memref_squeeze %dma_wait3A_791 : memref<1x832x32xf32, #tpu.memory_space<vmem>> -> memref<832x32xf32, #tpu.memory_space<vmem>>
    %dma_wait3A_793 = arith.constant 0 : i32
    %dma_wait3A_794 = tpu.memref_slice %arg4[%add3A_787, %dma_wait3A_793] : memref<425984x32xf32, #tpu.memory_space<hbm>> -> memref<832x32xf32, #tpu.memory_space<hbm>>
    %dma_wait3A_795 = arith.constant 0 : i32
    %dma_wait3A_796 = tpu.memref_slice %arg4[%add3A_787, %dma_wait3A_795] : memref<425984x32xf32, #tpu.memory_space<hbm>> -> memref<832x32xf32, #tpu.memory_space<hbm>>
    %dma_wait3A_797 = arith.constant 0 : i32
    %dma_wait3A_798 = arith.constant 0 : i32
    %dma_wait3A_799 = tpu.memref_slice %arg6[%dma_wait3A_788, %dma_wait3A_797, %dma_wait3A_798] : memref<4x832x32xf32, #tpu.memory_space<vmem>> -> memref<1x832x32xf32, #tpu.memory_space<vmem>>
    %dma_wait3A_800 = tpu.memref_squeeze %dma_wait3A_799 : memref<1x832x32xf32, #tpu.memory_space<vmem>> -> memref<832x32xf32, #tpu.memory_space<vmem>>
    tpu.wait_dma2 semaphore(%arg11 : memref<!tpu.dma_semaphore, #tpu.memory_space<semaphore_mem>>) src(%dma_wait3A_800 : memref<832x32xf32, #tpu.memory_space<vmem>>) dst(%dma_wait3A_796 : memref<832x32xf32, #tpu.memory_space<hbm>>)
    return
  }
}

</mosaic_0001>

<sc_bundles>
// kernel: kernel.3.cloned.1.call-start
scs
__scs_entry_jumppad:
0x0: {  	(pc) =	sbr.rel $0x88, $3  }
0x1: {  	(tag) =	ssettag $0x0;
	lr =	simm.s32 $0x1  }
0x2: {  	[smem:$0x3F9F] =	sst lr;
	_ =	strace $0xD0000000  }
0x3: {  	_ = 	snop  }
0x4: {  	_ = 	snop  }
0x5: {  	_ = 	snop  }
0x6: {  	_ = 	snop  }
0x7: {  	_ = 	snop  }
__scs_overlays_trampoline_lowered:
0x8: {  	[smem:$0x3FAE] =	sst s0  }
0x9: {  	[smem:$0x3FAF] =	sst s1  }
0xa: {  	[smem:$0x3FB0] =	sst s2  }
0xb: {  	[smem:$0x3FB1] =	sst s3  }
0xc: {  	[smem:$0x3FB2] =	sst s4  }
0xd: {  	[smem:$0x3FB3] =	sst s5  }
0xe: {  	[smem:$0x3FB4] =	sst s6  }
0xf: {  	[smem:$0x3FB5] =	sst s7  }
0x10: {  	[smem:$0x3FB6] =	sst s8  }
0x11: {  	[smem:$0x3FB7] =	sst s9;
	s0 =	simm.s32 @!p0 $0x0  }
0x12: {  	s1 =	sld [smem:$0x3F9D];
	s0 =	simm.s32 @p0 $0x1  }
0x13: {  	[smem:$0x3FB8] =	sst s0;
	s0 =	simm.s32 @!p1 $0x0  }
0x14: {  	s2 =	sld [smem:$0x3F9C];
	s0 =	simm.s32 @p1 $0x1  }
0x15: {  	[smem:$0x3FB9] =	sst s0;
	s0 =	simm.s32 @!p2 $0x0  }
0x16: {  	s3 =	sld [smem:$0x3FDB];
	s0 =	simm.s32 @p2 $0x1  }
0x17: {  	s4 =	simm.s32 $0x1BF5;
	[smem:$0x3FBB] =	sst s0  }
0x18: {  	s0 =	sld [smem:$0x3F9E];
	_ =	swait.ge [sflag:s4], $0x0  }
0x19: {  	s7 =	sld [smem:$0x3F9F]  }
0x1a: {  	s8 =	sadd.s32 $0xFFFFE003, lr  }
0x1b: {  	s9 =	sadd.s32 $0xFFFFFEF7, lr;
	s5 =	simm.s32 $0xFFFFFFFF;
	p2 =	slt.u32 s8, $0xFFFFF086  }
0x1c: {  	p1 =	slt.u32 s9, $0xF7A;
	s5 =	simm.s32 @!p2 $0x0  }
0x1d: {  	s5 =	simm.s32 @p1 $0x1;
	p0 =	seq.s32 s7, s2  }
0x1e: {  	s7 =	smul.u32 @!p0 $0xF7A, s2;
	p2 =	seq.s32 @!p0 s5, $0x0  }
0x1f: {  	s9 =	smul.u32 $0xF7A, s1;
	s8 =	simm.s32 @!p0 $0x1BF5;
	p2 =	por !p2, p0  }
0x20: {  	[sflag:s8] =	ssyncset.s32 @!p0 $0xFFFFF086;
	s6 =	sadd.s32 @!p0 s3, s7;
	s7 =	simm.s32 @!p0 $0x108  }
0x21: {  	s3 =	sadd.s32 s3, s9;
	s6 =	sadd.s32 @!p0 $0x88, s6;
	s7 =	simm.s32 @p2 $0x1082  }
0x22: {  	[simem:s7], [sflag:s8] =	dma.local @!p0 [hbm:s6], $0xF7A  }
0x23: {  	s9 =	sor.u32 $0xD0000000, s2;
	s6 =	simm.s32 $0x108;
	_ =	swait.ge @!p0 [sflag:s8], $0x0  }
0x24: {  	s3 =	sadd.s32 $0x88, s3;
	s6 =	simm.s32 @!p1 $0x1082;
	[sflag:s4] =	ssyncset.s32 $0xFFFFF086  }
0x25: {  	[simem:s6], [sflag:s4] =	dma.local [hbm:s3], $0xF7A  }
0x26: {  	[smem:$0x3F9F] =	sst s1;
	(tag) =	ssettag s2;
	_ =	strace s9  }
0x27: {  	s1 =	sld [smem:$0x3FAF]  }
0x28: {  	s2 =	sld [smem:$0x3FB0]  }
0x29: {  	s4 =	sld [smem:$0x3FB2]  }
0x2a: {  	p0 =	seq.s32 s5, $0x0;
	s5 =	sld [smem:$0x3FB3]  }
0x2b: {  	s6 =	sld [smem:$0x3FB4]  }
0x2c: {  	s7 =	sld [smem:$0x3FB5]  }
0x2d: {  	s3 =	simm.s32 $0x108;
	s8 =	sld [smem:$0x3FB6]  }
0x2e: {  	s3 =	simm.s32 @!p0 $0x1082;
	s9 =	sld [smem:$0x3FB7]  }
0x2f: {  	lr =	sadd.s32 s0, s3;
	s0 =	sld [smem:$0x3FAE]  }
0x30: {  	s3 =	sld [smem:$0x3FB1]  }
0x31: {  	[smem:$0x3FBA] =	sst s10  }
0x32: {  	s10 =	sld [smem:$0x3FB8];
	_ =	sdelay $0x3  }
0x33: {  	p0 =	seq.s32 s10, $0x1;
	s10 =	sld [smem:$0x3FBA];
	_ =	sdelay $0x3  }
0x34: {  	[smem:$0x3FBA] =	sst s10  }
0x35: {  	s10 =	sld [smem:$0x3FB9];
	_ =	sdelay $0x3  }
0x36: {  	p1 =	seq.s32 s10, $0x1;
	s10 =	sld [smem:$0x3FBA];
	_ =	sdelay $0x3  }
0x37: {  	[smem:$0x3FBA] =	sst s10  }
0x38: {  	s10 =	sld [smem:$0x3FBB]  }
0x39: {  	_ = 	snop;
	(pc) =	sbr.ind lr, $3  }
0x3a: {  	_ = 	snop  }
0x3b: {  	_ = 	snop  }
0x3c: {  	p2 =	seq.s32 s10, $0x1;
	s10 =	sld [smem:$0x3FBA]  }
0x3d: {  	_ =	shalt  }
0x3e: {  	_ =	shalt  }
0x3f: {  	_ =	shalt  }
0x40: {  	_ =	shalt  }
0x41: {  	_ =	shalt  }
0x42: {  	_ =	shalt  }
0x43: {  	_ =	shalt  }
0x44: {  	_ =	shalt  }
0x45: {  	_ =	shalt  }
0x46: {  	_ =	shalt  }
0x47: {  	_ =	shalt  }
0x48: {  	_ =	shalt  }
0x49: {  	_ =	shalt  }
0x4a: {  	_ =	shalt  }
0x4b: {  	_ =	shalt  }
0x4c: {  	_ =	shalt  }
0x4d: {  	_ =	shalt  }
0x4e: {  	_ =	shalt  }
0x4f: {  	_ =	shalt  }
0x50: {  	_ =	shalt  }
0x51: {  	_ =	shalt  }
0x52: {  	_ =	shalt  }
0x53: {  	_ =	shalt  }
0x54: {  	_ =	shalt  }
0x55: {  	_ =	shalt  }
0x56: {  	_ =	shalt  }
0x57: {  	_ =	shalt  }
0x58: {  	_ =	shalt  }
0x59: {  	_ =	shalt  }
0x5a: {  	_ =	shalt  }
0x5b: {  	_ =	shalt  }
0x5c: {  	_ =	shalt  }
0x5d: {  	_ =	shalt  }
0x5e: {  	_ =	shalt  }
0x5f: {  	_ =	shalt  }
0x60: {  	_ =	shalt  }
0x61: {  	_ =	shalt  }
0x62: {  	_ =	shalt  }
0x63: {  	_ =	shalt  }
0x64: {  	_ =	shalt  }
0x65: {  	_ =	shalt  }
0x66: {  	_ =	shalt  }
0x67: {  	_ =	shalt  }
0x68: {  	_ =	shalt  }
0x69: {  	_ =	shalt  }
0x6a: {  	_ =	shalt  }
0x6b: {  	_ =	shalt  }
0x6c: {  	_ =	shalt  }
0x6d: {  	_ =	shalt  }
0x6e: {  	_ =	shalt  }
0x6f: {  	_ =	shalt  }
0x70: {  	_ =	shalt  }
0x71: {  	_ =	shalt  }
0x72: {  	_ =	shalt  }
0x73: {  	_ =	shalt  }
0x74: {  	_ =	shalt  }
0x75: {  	_ =	shalt  }
0x76: {  	_ =	shalt  }
0x77: {  	_ =	shalt  }
0x78: {  	_ =	shalt  }
0x79: {  	_ =	shalt  }
0x7a: {  	_ =	shalt  }
0x7b: {  	_ =	shalt  }
0x7c: {  	_ =	shalt  }
0x7d: {  	_ =	shalt  }
0x7e: {  	_ =	shalt  }
0x7f: {  	_ =	shalt  }
0x80: {  	_ =	shalt  }
0x81: {  	_ =	shalt  }
0x82: {  	_ =	shalt  }
0x83: {  	_ =	shalt  }
0x84: {  	_ =	shalt  }
0x85: {  	_ =	shalt  }
0x86: {  	_ =	shalt  }
0x87: {  	_ =	shalt  }
.Lfunc_end0:
.L_simem_size_0:
called_computation.1_lowered:
.L_overlay_start_0:
0x88: {  	s2 =	sld [smem:$0x3FD9]  }
0x89: {  	s3 =	sld [smem:$0x3FFE];
	_ =	sdelay $0x1  }
0x8a: {  	s1 =	srdreg.scid  }
0x8b: {  	s0 =	sand.u32 $0x1, s1  }
0x8c: {  	s17 =	sshll.u32 s0, $0xA;
	s2 =	sadd.s32 s3, s2  }
0x8d: {  	s2 =	sadd.s32 s2, s17  }
0x8e: {  	[smem:$0x3FC6] =	sst s2  }
0x8f: {  	_ = 	snop  }
0x90: {  	s2 =	sld [smem:$0x3FD0];
	(tm) =	ssettm $0x1  }
0x91: {  	s18 =	sld [smem:$0x3FFB];
	_ =	sdelay $0x3  }
0x92: {  	_ =	strace s18  }
0x93: {  	s3 =	sld [smem:$0x3FFC];
	_ =	sdelay $0x3  }
0x94: {  	_ =	strace s3  }
0x95: {  	s3 =	sld [smem:$0x3FFD];
	_ =	sdelay $0x3  }
0x96: {  	_ =	strace s3  }
0x97: {  	_ =	strace $0x8FFFFFFF  }
0x98: {  	s19 =	sld [smem:$0x3FDB];
	_ =	sdelay $0x1  }
0x99: {  	s4 =	simm.s32 $_scs_section_size  }
0x9a: {  	s5 =	simm.s32 $_size__tile_overlayer_lowered;
	s6 =	simm.s32 $_tile_overlayer_lowered  }
0x9b: {  	s22 =	simm.s32 $0x1BFF;
	s21 =	sshll.u32 s6, $0x1;
	s3 =	sadd.s32 s4, s19  }
0x9c: {  	s7 =	simm.s32 $0x0;
	s20 =	sshll.u32 s5, $0x1;
	s5 =	sadd.s32 s21, s3  }
0x9d: {  	[timem:s7], [sflag:s22] =	dma.local [hbm:s5], s20  }
0x9e: {  	_ =	swait.ge [sflag:s22], s20  }
0x9f: {  	s4 =	ssub.s32 $0x0, s20;
	[sflag:s22] =	ssyncset.done $0x0  }
0xa0: {  	[sflag:s22] =	ssyncadd.s32 s4;
	_ =	sdelay $0x1  }
0xa1: {  	s23 =	simm.s32 $0x1B8B  }
0xa2: {  	_ =	swait.ge [sflag:s23], $0x1  }
0xa3: {  	[sflag:s23] =	ssyncset.done $0x0  }
0xa4: {  	s25 =	simm.s32 $0x1B8E;
	s24 =	sld [smem:$0x3FFE];
	[sflag:s23] =	ssyncadd.s32 $0xFFFFFFFF  }
0xa5: {  	s26 =	simm.s32 $execute0_lowered;
	[smem:$0x3FD2] =	sst s25  }
0xa6: {  	s5 =	sshll.u32 s26, $0x1;
	_ =	strace $0x80000046;
	[dreg:$0x1] =	wrdreg $0xFFFFFFFF  }
0xa7: {  	s28 =	simm.s32 $_size_execute0_lowered;
	s3 =	sadd.s32 s3, s5;
	[dreg:$0x0] =	wrdreg $0x0  }
0xa8: {  	s5 =	sshll.u32 s28, $0x1;
	[dreg:$0x2] =	wrdreg s3  }
0xa9: {  	[dreg:$0x3] =	wrdreg s5  }
0xaa: {  	[dreg:$0x4] =	wrdreg $0xC0  }
0xab: {  	_ =	task [dreg:s7], $0x5FFFF  }
0xac: {  	[dreg:$0x1] =	wrdreg $0xFFFFFFFF  }
0xad: {  	[dreg:$0x0] =	wrdreg $0x60  }
0xae: {  	[dreg:$0x2] =	wrdreg s24  }
0xaf: {  	[dreg:$0x3] =	wrdreg s2  }
0xb0: {  	[dreg:$0x4] =	wrdreg $0x9  }
0xb1: {  	_ =	task.clear_ibuf [dreg:s7], $0x5FFFF;
	_ =	strace $0x90000046  }
0xb2: {  	s29 =	simm.s32 $0x9;
	_ =	strace $0x80000048  }
0xb3: {  	_ =	swait.ge [sflag:s29], $0x1  }
0xb4: {  	[sflag:s29] =	ssyncadd.s32 $0xFFFFFFFF  }
0xb5: {  	_ =	strace $0x90000048  }
0xb6: {  	_ =	sfence  }
0xb7: {  	s30 =	sld [smem:$0x0];
	_ =	sdelay $0x2  }
0xb8: {  	s31 =	sshll.u32 s1, $0xD;
	s1 =	sshrl.u32 s1, $0x2  }
0xb9: {  	s3 =	sand.u32 $0x4000, s31;
	s1 =	sadd.s32 s1, s30  }
0xba: {  	s0 =	sor.u32 s3, s0;
	s1 =	sshll.u32 s1, $0x11  }
0xbb: {  	s0 =	sor.u32 s1, s0  }
0xbc: {  	s0 =	sadd.s32 $0x8F2B, s0  }
0xbd: {  	[sflag:s0] =	ssyncadd.remote.s32 $0x1  }
0xbe: {  	_ =	sfence.sel $0xFFFF  }
0xbf: {  	[dreg:$0x0] =	wrdreg $0xFFFFFFFF;
	(pc) =	sbr.abs _section_cstart, $3  }
0xc0: {  	[dreg:$0x1] =	wrdreg $0xFFFFFFFF  }
0xc1: {  	_ =	task.clear_ibuf [dreg:s7], $0x2FFFF;
	_ =	strace $0x9FFFFFFF  }
0xc2: {  	(tm) =	ssettm $0x7FFFFFFF  }
0xc3: {  	_ =	shalt  }
tec
execute0_lowered:
.L_overlay_start_1:
0x0: {  	(tag) =	ssettag $0x1  }
0x1: {  	s0 =	srdreg.scid;
	s1 =	stileid.u32  }
0x2: {  	s3 =	rddreg [dreg:$0x0];
	s0 =	sand.u32 $0x1, s0;
	s1 =	sshll.u32 s1, $0x1  }
0x3: {  	s4 =	rddreg [dreg:$0x1];
	s2 =	simm.s32 $0x0;
	s1 =	sor.u32 s0, s1  }
0x4: {  	s30 =	simm.s32 $0x6;
	s9 =	simm.s32 $0x340;
	s5 =	smul.u32 $0x680, s1  }
0x5: {  	s8 =	simm.s32 $0x9C00;
	s31 =	simm.s32 $0x680;
	s6 =	smul.u32 $0xD000, s1  }
0x6: {  	s7 =	simm.s32 $0x10400;
	[smem:$0x7FF] =	sst s2;
	s1 =	smul.u32 $0x68000, s1  }
0x7: {  	s29 =	simm.s32 $0x9C0;
	_ =	strace $0x80000047;
	s5 =	sadd.s32 s5, s3  }
0x8: {  	s21 =	sadd.s32 s4, s6;
	s1 =	sshrl.u32 s1, $0x3;
	s5 =	sadd.s32 $0xA00, s5  }
0x9: {  	s12 =	sadd.s32 $0xD00, s21;
	s1 =	sadd.s32 s4, s1;
	[dreg:$0x3] =	wrdreg s5  }
0xa: {  	s28 =	simm.s32 $0xD00;
	[dreg:$0x4] =	wrdreg s12;
	s4 =	sadd.s32 $0x1A00, s1  }
0xb: {  	s11 =	simm.s32 $0x3;
	s13 =	sadd.s32 $0x2700, s1;
	[dreg:$0x5] =	wrdreg s4  }
0xc: {  	s10 =	simm.s32 $0x4;
	s14 =	sadd.s32 $0x3400, s1;
	[dreg:$0x6] =	wrdreg s13  }
0xd: {  	p0 =	por $0x0, $0x0;
	s15 =	sadd.s32 $0x4100, s1;
	[dreg:$0x7] =	wrdreg s14  }
0xe: {  	s0 =	ssub.s32 $0x2, s0;
	s16 =	sadd.s32 $0x4E00, s1;
	[dreg:$0x8] =	wrdreg s15  }
0xf: {  	s25 =	sshrl.u32 s0, $0x1;
	s17 =	sadd.s32 $0x5B00, s1;
	[dreg:$0x9] =	wrdreg s16  }
0x10: {  	s0 =	ssub.s32 s0, s25;
	s18 =	sadd.s32 $0x6800, s1;
	[dreg:$0xa] =	wrdreg s17  }
0x11: {  	s25 =	simm.s32 $0x1380;
	s19 =	sadd.s32 $0x7500, s1;
	[dreg:$0xb] =	wrdreg s18  }
0x12: {  	s0 =	smax.u32 s0, $0x1;
	s20 =	sadd.s32 $0x8200, s1;
	[dreg:$0xc] =	wrdreg s19  }
0x13: {  	s6 =	simm.s32 $0x16C00;
	s22 =	sadd.s32 $0x8F00, s1;
	[dreg:$0xd] =	wrdreg s20  }
0x14: {  	p1 =	sne.s32 s0, $0x1;
	s23 =	sadd.s32 $0x9C00, s1;
	[dreg:$0xe] =	wrdreg s22  }
0x15: {  	s5 =	sadd.s32 $0xF42E00, s3;
	s24 =	sadd.s32 $0xA900, s1;
	[dreg:$0xf] =	wrdreg s23  }
0x16: {  	s26 =	sadd.s32 $0xB600, s1;
	s3 =	sadd.s32 $0xC300, s1;
	[dreg:$0x10] =	wrdreg s24  }
0x17: {  	s12 =	simm.s32 $0x2;
	s1 =	sadd.s32 $0xFFFFFFFF, s0;
	[dreg:$0x11] =	wrdreg s26  }
.Ltmp0:
0x18: {  	s13 =	simm.s32 $0x3400;
	s14 =	simm.s32 $0x1;
	(pc) =	sbr.rel @!p1 .LBB2_3-.Ltmp0, $4  }
0x19: {  	s4 =	simm.s32 $0x5;
	s26 =	simm.s32 $0x1040;
	s24 =	simm.s32 $0x16C0  }
0x1a: {  	s23 =	simm.s32 $0x1A00;
	s22 =	simm.s32 $0x1D40;
	s20 =	simm.s32 $0x2080  }
0x1b: {  	s19 =	simm.s32 $0x23C0;
	s18 =	simm.s32 $0x2700;
	s17 =	simm.s32 $0x2A40  }
0x1c: {  	s16 =	simm.s32 $0x2D80;
	s15 =	simm.s32 $0x30C0;
	s0 =	rddreg [dreg:$0x3]  }
0x1d: {  	[tilespmem:s2], [sflag:$0x6] =	stream.linear.gather [hbm4b:s0+s2], $0x3400, $0x38;
	[tilespmem:$0x1D400] =	vst v63  }
0x1e: {  	_ =	swait.ge [sflag:s30], $0x3400  }
0x1f: {  	[sflag:s30] =	ssyncset.done $0x0  }
0x20: {  	[sflag:s30] =	ssyncadd.s32 $0xFFFFCC00  }
0x21: {  	[tilespmem:s13], [sflag:$0x1] =	stream.indirect.gather [hbm4b:s5+s9], $0x20, s2, s9, $0xb8;
	[tilespmem:$0x1D400] =	vst v63  }
0x22: {  	_ = 	snop  }
0x23: {  	[tilespmem:s8], [sflag:$0x2] =	stream.indirect.gather [hbm4b:s5+s9], $0x20, s9, s9, $0xb8;
	[tilespmem:$0x1D400] =	vst v63  }
0x24: {  	_ = 	snop  }
0x25: {  	[tilespmem:s7], [sflag:$0x3] =	stream.indirect.gather [hbm4b:s5+s9], $0x20, s31, s9, $0xb8;
	[tilespmem:$0x1D400] =	vst v63  }
0x26: {  	_ =	swait.ge [sflag:s14], $0x6800  }
0x27: {  	[sflag:s14] =	ssyncset.done $0x0  }
0x28: {  	[sflag:s14] =	ssyncadd.s32 $0xFFFF9800  }
0x29: {  	[hbm4b:s21+s2] =	stream.linear.scatter [tilespmem:s13], [sflag:$0x5], $0x6800, $0x38;
	[tilespmem:$0x1D400] =	vst v63  }
0x2a: {  	_ = 	snop  }
0x2b: {  	[tilespmem:s6], [sflag:$0x4] =	stream.indirect.gather [hbm4b:s5+s9], $0x20, s29, s9, $0xb8;
	[tilespmem:$0x1D400] =	vst v63  }
0x2c: {  	_ =	swait.ge [sflag:s12], $0x6800  }
0x2d: {  	[sflag:s12] =	ssyncset.done $0x0  }
0x2e: {  	s0 =	rddreg [dreg:$0x4];
	[sflag:s12] =	ssyncadd.s32 $0xFFFF9800  }
0x2f: {  	[hbm4b:s0+s2] =	stream.linear.scatter [tilespmem:s8], [sflag:$0x5], $0x6800, $0x38;
	[tilespmem:$0x1D400] =	vst v63  }
0x30: {  	_ =	swait.ge [sflag:s4], $0x6800  }
0x31: {  	[sflag:s4] =	ssyncset.done $0x0  }
0x32: {  	[sflag:s4] =	ssyncadd.s32 $0xFFFF9800  }
0x33: {  	[tilespmem:s13], [sflag:$0x1] =	stream.indirect.gather [hbm4b:s5+s9], $0x20, s28, s9, $0xb8;
	[tilespmem:$0x1D400] =	vst v63  }
0x34: {  	_ =	swait.ge [sflag:s11], $0x6800  }
0x35: {  	[sflag:s11] =	ssyncset.done $0x0  }
0x36: {  	s0 =	rddreg [dreg:$0x5];
	[sflag:s11] =	ssyncadd.s32 $0xFFFF9800  }
0x37: {  	[hbm4b:s0+s2] =	stream.linear.scatter [tilespmem:s7], [sflag:$0x5], $0x6800, $0x38;
	[tilespmem:$0x1D400] =	vst v63  }
0x38: {  	_ =	swait.ge [sflag:s4], $0x6800  }
0x39: {  	[sflag:s4] =	ssyncset.done $0x0  }
0x3a: {  	[sflag:s4] =	ssyncadd.s32 $0xFFFF9800  }
0x3b: {  	[tilespmem:s8], [sflag:$0x2] =	stream.indirect.gather [hbm4b:s5+s9], $0x20, s26, s9, $0xb8;
	[tilespmem:$0x1D400] =	vst v63  }
0x3c: {  	_ =	swait.ge [sflag:s10], $0x6800  }
0x3d: {  	[sflag:s10] =	ssyncset.done $0x0  }
0x3e: {  	s0 =	rddreg [dreg:$0x6];
	[sflag:s10] =	ssyncadd.s32 $0xFFFF9800  }
0x3f: {  	[hbm4b:s0+s2] =	stream.linear.scatter [tilespmem:s6], [sflag:$0x5], $0x6800, $0x38;
	[tilespmem:$0x1D400] =	vst v63  }
0x40: {  	_ =	swait.ge [sflag:s4], $0x6800  }
0x41: {  	[sflag:s4] =	ssyncset.done $0x0  }
0x42: {  	[sflag:s4] =	ssyncadd.s32 $0xFFFF9800  }
0x43: {  	[tilespmem:s7], [sflag:$0x3] =	stream.indirect.gather [hbm4b:s5+s9], $0x20, s25, s9, $0xb8;
	[tilespmem:$0x1D400] =	vst v63  }
0x44: {  	_ =	swait.ge [sflag:s14], $0x6800  }
0x45: {  	[sflag:s14] =	ssyncset.done $0x0  }
0x46: {  	s0 =	rddreg [dreg:$0x7];
	[sflag:s14] =	ssyncadd.s32 $0xFFFF9800  }
0x47: {  	[hbm4b:s0+s2] =	stream.linear.scatter [tilespmem:s13], [sflag:$0x5], $0x6800, $0x38;
	[tilespmem:$0x1D400] =	vst v63  }
0x48: {  	_ =	swait.ge [sflag:s4], $0x6800  }
0x49: {  	[sflag:s4] =	ssyncset.done $0x0  }
0x4a: {  	[sflag:s4] =	ssyncadd.s32 $0xFFFF9800  }
0x4b: {  	[tilespmem:s6], [sflag:$0x4] =	stream.indirect.gather [hbm4b:s5+s9], $0x20, s24, s9, $0xb8;
	[tilespmem:$0x1D400] =	vst v63  }
0x4c: {  	_ =	swait.ge [sflag:s12], $0x6800  }
0x4d: {  	[sflag:s12] =	ssyncset.done $0x0  }
0x4e: {  	s0 =	rddreg [dreg:$0x8];
	[sflag:s12] =	ssyncadd.s32 $0xFFFF9800  }
0x4f: {  	[hbm4b:s0+s2] =	stream.linear.scatter [tilespmem:s8], [sflag:$0x5], $0x6800, $0x38;
	[tilespmem:$0x1D400] =	vst v63  }
0x50: {  	_ =	swait.ge [sflag:s4], $0x6800  }
0x51: {  	[sflag:s4] =	ssyncset.done $0x0  }
0x52: {  	[sflag:s4] =	ssyncadd.s32 $0xFFFF9800  }
0x53: {  	[tilespmem:s13], [sflag:$0x1] =	stream.indirect.gather [hbm4b:s5+s9], $0x20, s23, s9, $0xb8;
	[tilespmem:$0x1D400] =	vst v63  }
0x54: {  	_ =	swait.ge [sflag:s11], $0x6800  }
0x55: {  	[sflag:s11] =	ssyncset.done $0x0  }
0x56: {  	s0 =	rddreg [dreg:$0x9];
	[sflag:s11] =	ssyncadd.s32 $0xFFFF9800  }
0x57: {  	[hbm4b:s0+s2] =	stream.linear.scatter [tilespmem:s7], [sflag:$0x5], $0x6800, $0x38;
	[tilespmem:$0x1D400] =	vst v63  }
0x58: {  	_ =	swait.ge [sflag:s4], $0x6800  }
0x59: {  	[sflag:s4] =	ssyncset.done $0x0  }
0x5a: {  	[sflag:s4] =	ssyncadd.s32 $0xFFFF9800  }
0x5b: {  	[tilespmem:s8], [sflag:$0x2] =	stream.indirect.gather [hbm4b:s5+s9], $0x20, s22, s9, $0xb8;
	[tilespmem:$0x1D400] =	vst v63  }
0x5c: {  	_ =	swait.ge [sflag:s10], $0x6800  }
0x5d: {  	[sflag:s10] =	ssyncset.done $0x0  }
0x5e: {  	s0 =	rddreg [dreg:$0xa];
	[sflag:s10] =	ssyncadd.s32 $0xFFFF9800  }
0x5f: {  	[hbm4b:s0+s2] =	stream.linear.scatter [tilespmem:s6], [sflag:$0x5], $0x6800, $0x38;
	[tilespmem:$0x1D400] =	vst v63  }
0x60: {  	_ =	swait.ge [sflag:s4], $0x6800  }
0x61: {  	[sflag:s4] =	ssyncset.done $0x0  }
0x62: {  	[sflag:s4] =	ssyncadd.s32 $0xFFFF9800  }
0x63: {  	[tilespmem:s7], [sflag:$0x3] =	stream.indirect.gather [hbm4b:s5+s9], $0x20, s20, s9, $0xb8;
	[tilespmem:$0x1D400] =	vst v63  }
0x64: {  	_ =	swait.ge [sflag:s14], $0x6800  }
0x65: {  	[sflag:s14] =	ssyncset.done $0x0  }
0x66: {  	s0 =	rddreg [dreg:$0xb];
	[sflag:s14] =	ssyncadd.s32 $0xFFFF9800  }
0x67: {  	[hbm4b:s0+s2] =	stream.linear.scatter [tilespmem:s13], [sflag:$0x5], $0x6800, $0x38;
	[tilespmem:$0x1D400] =	vst v63  }
0x68: {  	_ =	swait.ge [sflag:s4], $0x6800  }
0x69: {  	[sflag:s4] =	ssyncset.done $0x0  }
0x6a: {  	[sflag:s4] =	ssyncadd.s32 $0xFFFF9800  }
0x6b: {  	[tilespmem:s6], [sflag:$0x4] =	stream.indirect.gather [hbm4b:s5+s9], $0x20, s19, s9, $0xb8;
	[tilespmem:$0x1D400] =	vst v63  }
0x6c: {  	_ =	swait.ge [sflag:s12], $0x6800  }
0x6d: {  	[sflag:s12] =	ssyncset.done $0x0  }
0x6e: {  	s0 =	rddreg [dreg:$0xc];
	[sflag:s12] =	ssyncadd.s32 $0xFFFF9800  }
0x6f: {  	[hbm4b:s0+s2] =	stream.linear.scatter [tilespmem:s8], [sflag:$0x5], $0x6800, $0x38;
	[tilespmem:$0x1D400] =	vst v63  }
0x70: {  	_ =	swait.ge [sflag:s4], $0x6800  }
0x71: {  	[sflag:s4] =	ssyncset.done $0x0  }
0x72: {  	[sflag:s4] =	ssyncadd.s32 $0xFFFF9800  }
0x73: {  	[tilespmem:s13], [sflag:$0x1] =	stream.indirect.gather [hbm4b:s5+s9], $0x20, s18, s9, $0xb8;
	[tilespmem:$0x1D400] =	vst v63  }
0x74: {  	_ =	swait.ge [sflag:s11], $0x6800  }
0x75: {  	[sflag:s11] =	ssyncset.done $0x0  }
0x76: {  	s0 =	rddreg [dreg:$0xd];
	[sflag:s11] =	ssyncadd.s32 $0xFFFF9800  }
0x77: {  	[hbm4b:s0+s2] =	stream.linear.scatter [tilespmem:s7], [sflag:$0x5], $0x6800, $0x38;
	[tilespmem:$0x1D400] =	vst v63  }
0x78: {  	_ =	swait.ge [sflag:s4], $0x6800  }
0x79: {  	[sflag:s4] =	ssyncset.done $0x0  }
0x7a: {  	[sflag:s4] =	ssyncadd.s32 $0xFFFF9800  }
0x7b: {  	[tilespmem:s8], [sflag:$0x2] =	stream.indirect.gather [hbm4b:s5+s9], $0x20, s17, s9, $0xb8;
	[tilespmem:$0x1D400] =	vst v63  }
0x7c: {  	_ =	swait.ge [sflag:s10], $0x6800  }
0x7d: {  	[sflag:s10] =	ssyncset.done $0x0  }
0x7e: {  	s0 =	rddreg [dreg:$0xe];
	[sflag:s10] =	ssyncadd.s32 $0xFFFF9800  }
0x7f: {  	[hbm4b:s0+s2] =	stream.linear.scatter [tilespmem:s6], [sflag:$0x5], $0x6800, $0x38;
	[tilespmem:$0x1D400] =	vst v63  }
0x80: {  	_ =	swait.ge [sflag:s4], $0x6800  }
0x81: {  	[sflag:s4] =	ssyncset.done $0x0  }
0x82: {  	[sflag:s4] =	ssyncadd.s32 $0xFFFF9800  }
0x83: {  	[tilespmem:s7], [sflag:$0x3] =	stream.indirect.gather [hbm4b:s5+s9], $0x20, s16, s9, $0xb8;
	[tilespmem:$0x1D400] =	vst v63  }
0x84: {  	_ =	swait.ge [sflag:s14], $0x6800  }
0x85: {  	[sflag:s14] =	ssyncset.done $0x0  }
0x86: {  	s0 =	rddreg [dreg:$0xf];
	[sflag:s14] =	ssyncadd.s32 $0xFFFF9800  }
0x87: {  	[hbm4b:s0+s2] =	stream.linear.scatter [tilespmem:s13], [sflag:$0x5], $0x6800, $0x38;
	[tilespmem:$0x1D400] =	vst v63  }
0x88: {  	_ =	swait.ge [sflag:s4], $0x6800  }
0x89: {  	[sflag:s4] =	ssyncset.done $0x0  }
0x8a: {  	[sflag:s4] =	ssyncadd.s32 $0xFFFF9800  }
0x8b: {  	[tilespmem:s6], [sflag:$0x4] =	stream.indirect.gather [hbm4b:s5+s9], $0x20, s15, s9, $0xb8;
	[tilespmem:$0x1D400] =	vst v63  }
0x8c: {  	_ =	swait.ge [sflag:s12], $0x6800  }
0x8d: {  	[sflag:s12] =	ssyncset.done $0x0  }
0x8e: {  	s0 =	rddreg [dreg:$0x10];
	[sflag:s12] =	ssyncadd.s32 $0xFFFF9800  }
0x8f: {  	[hbm4b:s0+s2] =	stream.linear.scatter [tilespmem:s8], [sflag:$0x5], $0x6800, $0x38;
	[tilespmem:$0x1D400] =	vst v63  }
0x90: {  	_ =	swait.ge [sflag:s11], $0x6800  }
0x91: {  	[sflag:s11] =	ssyncset.done $0x0  }
0x92: {  	s0 =	rddreg [dreg:$0x11];
	[sflag:s11] =	ssyncadd.s32 $0xFFFF9800  }
0x93: {  	[hbm4b:s0+s2] =	stream.linear.scatter [tilespmem:s7], [sflag:$0x5], $0x6800, $0x38;
	[tilespmem:$0x1D400] =	vst v63  }
0x94: {  	_ =	swait.ge [sflag:s10], $0x6800  }
0x95: {  	[sflag:s10] =	ssyncset.done $0x0  }
0x96: {  	[sflag:s10] =	ssyncadd.s32 $0xFFFF9800  }
0x97: {  	[hbm4b:s3+s2] =	stream.linear.scatter [tilespmem:s6], [sflag:$0x5], $0x6800, $0x38;
	[tilespmem:$0x1D400] =	vst v63  }
0x98: {  	_ =	swait.ge [sflag:s4], $0x6800  }
0x99: {  	[sflag:s4] =	ssyncset.done $0x0  }
0x9a: {  	[sflag:s4] =	ssyncadd.s32 $0xFFFF9800  }
0x9b: {  	_ =	swait.ge [sflag:s4], $0x6800  }
0x9c: {  	[sflag:s4] =	ssyncset.done $0x0  }
0x9d: {  	p1 =	sne.s32 s1, $0x1;
	[sflag:s4] =	ssyncadd.s32 $0xFFFF9800  }
.Ltmp1:
0x9e: {  	_ =	swait.ge [sflag:s4], $0x6800;
	(pc) =	sbr.rel @!p1 .LBB2_3-.Ltmp1, $4  }
0x9f: {  	[sflag:s4] =	ssyncset.done $0x0  }
0xa0: {  	[sflag:s4] =	ssyncadd.s32 $0xFFFF9800  }
0xa1: {  	s1 =	sadd.s32 $0xFFFFFFFF, s1;
	_ =	swait.ge [sflag:s4], $0x6800  }
0xa2: {  	p0 =	por $0x1, $0x1;
	s0 =	rddreg [dreg:$0x3];
	[sflag:s4] =	ssyncset.done $0x0  }
.LBB2_2:
0xa3: {  	[sflag:s4] =	ssyncadd.s32 $0xFFFF9800  }
0xa4: {  	[tilespmem:s2], [sflag:$0x6] =	stream.linear.gather [hbm4b:s0+s2], $0x3400, $0x38;
	[tilespmem:$0x1D400] =	vst v63  }
0xa5: {  	_ =	swait.ge [sflag:s30], $0x3400  }
0xa6: {  	[sflag:s30] =	ssyncset.done $0x0  }
0xa7: {  	[sflag:s30] =	ssyncadd.s32 $0xFFFFCC00  }
0xa8: {  	[tilespmem:s13], [sflag:$0x1] =	stream.indirect.gather [hbm4b:s5+s9], $0x20, s2, s9, $0xb8;
	[tilespmem:$0x1D400] =	vst v63  }
0xa9: {  	_ = 	snop  }
0xaa: {  	[tilespmem:s8], [sflag:$0x2] =	stream.indirect.gather [hbm4b:s5+s9], $0x20, s9, s9, $0xb8;
	[tilespmem:$0x1D400] =	vst v63  }
0xab: {  	_ = 	snop  }
0xac: {  	[tilespmem:s7], [sflag:$0x3] =	stream.indirect.gather [hbm4b:s5+s9], $0x20, s31, s9, $0xb8;
	[tilespmem:$0x1D400] =	vst v63  }
0xad: {  	_ =	swait.ge [sflag:s14], $0x6800  }
0xae: {  	[sflag:s14] =	ssyncset.done $0x0  }
0xaf: {  	[sflag:s14] =	ssyncadd.s32 $0xFFFF9800  }
0xb0: {  	[hbm4b:s21+s2] =	stream.linear.scatter [tilespmem:s13], [sflag:$0x5], $0x6800, $0x38;
	[tilespmem:$0x1D400] =	vst v63  }
0xb1: {  	_ = 	snop  }
0xb2: {  	[tilespmem:s6], [sflag:$0x4] =	stream.indirect.gather [hbm4b:s5+s9], $0x20, s29, s9, $0xb8;
	[tilespmem:$0x1D400] =	vst v63  }
0xb3: {  	_ =	swait.ge [sflag:s12], $0x6800  }
0xb4: {  	[sflag:s12] =	ssyncset.done $0x0  }
0xb5: {  	s0 =	rddreg [dreg:$0x4];
	[sflag:s12] =	ssyncadd.s32 $0xFFFF9800  }
0xb6: {  	[hbm4b:s0+s2] =	stream.linear.scatter [tilespmem:s8], [sflag:$0x5], $0x6800, $0x38;
	[tilespmem:$0x1D400] =	vst v63  }
0xb7: {  	_ =	swait.ge [sflag:s4], $0x6800  }
0xb8: {  	[sflag:s4] =	ssyncset.done $0x0  }
0xb9: {  	[sflag:s4] =	ssyncadd.s32 $0xFFFF9800  }
0xba: {  	[tilespmem:s13], [sflag:$0x1] =	stream.indirect.gather [hbm4b:s5+s9], $0x20, s28, s9, $0xb8;
	[tilespmem:$0x1D400] =	vst v63  }
0xbb: {  	_ =	swait.ge [sflag:s11], $0x6800  }
0xbc: {  	[sflag:s11] =	ssyncset.done $0x0  }
0xbd: {  	s0 =	rddreg [dreg:$0x5];
	[sflag:s11] =	ssyncadd.s32 $0xFFFF9800  }
0xbe: {  	[hbm4b:s0+s2] =	stream.linear.scatter [tilespmem:s7], [sflag:$0x5], $0x6800, $0x38;
	[tilespmem:$0x1D400] =	vst v63  }
0xbf: {  	_ =	swait.ge [sflag:s4], $0x6800  }
0xc0: {  	[sflag:s4] =	ssyncset.done $0x0  }
0xc1: {  	[sflag:s4] =	ssyncadd.s32 $0xFFFF9800  }
0xc2: {  	[tilespmem:s8], [sflag:$0x2] =	stream.indirect.gather [hbm4b:s5+s9], $0x20, s26, s9, $0xb8;
	[tilespmem:$0x1D400] =	vst v63  }
0xc3: {  	_ =	swait.ge [sflag:s10], $0x6800  }
0xc4: {  	[sflag:s10] =	ssyncset.done $0x0  }
0xc5: {  	s0 =	rddreg [dreg:$0x6];
	[sflag:s10] =	ssyncadd.s32 $0xFFFF9800  }
0xc6: {  	[hbm4b:s0+s2] =	stream.linear.scatter [tilespmem:s6], [sflag:$0x5], $0x6800, $0x38;
	[tilespmem:$0x1D400] =	vst v63  }
0xc7: {  	_ =	swait.ge [sflag:s4], $0x6800  }
0xc8: {  	[sflag:s4] =	ssyncset.done $0x0  }
0xc9: {  	[sflag:s4] =	ssyncadd.s32 $0xFFFF9800  }
0xca: {  	[tilespmem:s7], [sflag:$0x3] =	stream.indirect.gather [hbm4b:s5+s9], $0x20, s25, s9, $0xb8;
	[tilespmem:$0x1D400] =	vst v63  }
0xcb: {  	_ =	swait.ge [sflag:s14], $0x6800  }
0xcc: {  	[sflag:s14] =	ssyncset.done $0x0  }
0xcd: {  	s0 =	rddreg [dreg:$0x7];
	[sflag:s14] =	ssyncadd.s32 $0xFFFF9800  }
0xce: {  	[hbm4b:s0+s2] =	stream.linear.scatter [tilespmem:s13], [sflag:$0x5], $0x6800, $0x38;
	[tilespmem:$0x1D400] =	vst v63  }
0xcf: {  	_ =	swait.ge [sflag:s4], $0x6800  }
0xd0: {  	[sflag:s4] =	ssyncset.done $0x0  }
0xd1: {  	[sflag:s4] =	ssyncadd.s32 $0xFFFF9800  }
0xd2: {  	[tilespmem:s6], [sflag:$0x4] =	stream.indirect.gather [hbm4b:s5+s9], $0x20, s24, s9, $0xb8;
	[tilespmem:$0x1D400] =	vst v63  }
0xd3: {  	_ =	swait.ge [sflag:s12], $0x6800  }
0xd4: {  	[sflag:s12] =	ssyncset.done $0x0  }
0xd5: {  	s0 =	rddreg [dreg:$0x8];
	[sflag:s12] =	ssyncadd.s32 $0xFFFF9800  }
0xd6: {  	[hbm4b:s0+s2] =	stream.linear.scatter [tilespmem:s8], [sflag:$0x5], $0x6800, $0x38;
	[tilespmem:$0x1D400] =	vst v63  }
0xd7: {  	_ =	swait.ge [sflag:s4], $0x6800  }
0xd8: {  	[sflag:s4] =	ssyncset.done $0x0  }
0xd9: {  	[sflag:s4] =	ssyncadd.s32 $0xFFFF9800  }
0xda: {  	[tilespmem:s13], [sflag:$0x1] =	stream.indirect.gather [hbm4b:s5+s9], $0x20, s23, s9, $0xb8;
	[tilespmem:$0x1D400] =	vst v63  }
0xdb: {  	_ =	swait.ge [sflag:s11], $0x6800  }
0xdc: {  	[sflag:s11] =	ssyncset.done $0x0  }
0xdd: {  	s0 =	rddreg [dreg:$0x9];
	[sflag:s11] =	ssyncadd.s32 $0xFFFF9800  }
0xde: {  	[hbm4b:s0+s2] =	stream.linear.scatter [tilespmem:s7], [sflag:$0x5], $0x6800, $0x38;
	[tilespmem:$0x1D400] =	vst v63  }
0xdf: {  	_ =	swait.ge [sflag:s4], $0x6800  }
0xe0: {  	[sflag:s4] =	ssyncset.done $0x0  }
0xe1: {  	[sflag:s4] =	ssyncadd.s32 $0xFFFF9800  }
0xe2: {  	[tilespmem:s8], [sflag:$0x2] =	stream.indirect.gather [hbm4b:s5+s9], $0x20, s22, s9, $0xb8;
	[tilespmem:$0x1D400] =	vst v63  }
0xe3: {  	_ =	swait.ge [sflag:s10], $0x6800  }
0xe4: {  	[sflag:s10] =	ssyncset.done $0x0  }
0xe5: {  	s0 =	rddreg [dreg:$0xa];
	[sflag:s10] =	ssyncadd.s32 $0xFFFF9800  }
0xe6: {  	[hbm4b:s0+s2] =	stream.linear.scatter [tilespmem:s6], [sflag:$0x5], $0x6800, $0x38;
	[tilespmem:$0x1D400] =	vst v63  }
0xe7: {  	_ =	swait.ge [sflag:s4], $0x6800  }
0xe8: {  	[sflag:s4] =	ssyncset.done $0x0  }
0xe9: {  	[sflag:s4] =	ssyncadd.s32 $0xFFFF9800  }
0xea: {  	[tilespmem:s7], [sflag:$0x3] =	stream.indirect.gather [hbm4b:s5+s9], $0x20, s20, s9, $0xb8;
	[tilespmem:$0x1D400] =	vst v63  }
0xeb: {  	_ =	swait.ge [sflag:s14], $0x6800  }
0xec: {  	[sflag:s14] =	ssyncset.done $0x0  }
0xed: {  	s0 =	rddreg [dreg:$0xb];
	[sflag:s14] =	ssyncadd.s32 $0xFFFF9800  }
0xee: {  	[hbm4b:s0+s2] =	stream.linear.scatter [tilespmem:s13], [sflag:$0x5], $0x6800, $0x38;
	[tilespmem:$0x1D400] =	vst v63  }
0xef: {  	_ =	swait.ge [sflag:s4], $0x6800  }
0xf0: {  	[sflag:s4] =	ssyncset.done $0x0  }
0xf1: {  	[sflag:s4] =	ssyncadd.s32 $0xFFFF9800  }
0xf2: {  	[tilespmem:s6], [sflag:$0x4] =	stream.indirect.gather [hbm4b:s5+s9], $0x20, s19, s9, $0xb8;
	[tilespmem:$0x1D400] =	vst v63  }
0xf3: {  	_ =	swait.ge [sflag:s12], $0x6800  }
0xf4: {  	[sflag:s12] =	ssyncset.done $0x0  }
0xf5: {  	s0 =	rddreg [dreg:$0xc];
	[sflag:s12] =	ssyncadd.s32 $0xFFFF9800  }
0xf6: {  	[hbm4b:s0+s2] =	stream.linear.scatter [tilespmem:s8], [sflag:$0x5], $0x6800, $0x38;
	[tilespmem:$0x1D400] =	vst v63  }
0xf7: {  	_ =	swait.ge [sflag:s4], $0x6800  }
0xf8: {  	[sflag:s4] =	ssyncset.done $0x0  }
0xf9: {  	[sflag:s4] =	ssyncadd.s32 $0xFFFF9800  }
0xfa: {  	[tilespmem:s13], [sflag:$0x1] =	stream.indirect.gather [hbm4b:s5+s9], $0x20, s18, s9, $0xb8;
	[tilespmem:$0x1D400] =	vst v63  }
0xfb: {  	_ =	swait.ge [sflag:s11], $0x6800  }
0xfc: {  	[sflag:s11] =	ssyncset.done $0x0  }
0xfd: {  	s0 =	rddreg [dreg:$0xd];
	[sflag:s11] =	ssyncadd.s32 $0xFFFF9800  }
0xfe: {  	[hbm4b:s0+s2] =	stream.linear.scatter [tilespmem:s7], [sflag:$0x5], $0x6800, $0x38;
	[tilespmem:$0x1D400] =	vst v63  }
0xff: {  	_ =	swait.ge [sflag:s4], $0x6800  }
0x100: {  	[sflag:s4] =	ssyncset.done $0x0  }
0x101: {  	[sflag:s4] =	ssyncadd.s32 $0xFFFF9800  }
0x102: {  	[tilespmem:s8], [sflag:$0x2] =	stream.indirect.gather [hbm4b:s5+s9], $0x20, s17, s9, $0xb8;
	[tilespmem:$0x1D400] =	vst v63  }
0x103: {  	_ =	swait.ge [sflag:s10], $0x6800  }
0x104: {  	[sflag:s10] =	ssyncset.done $0x0  }
0x105: {  	s0 =	rddreg [dreg:$0xe];
	[sflag:s10] =	ssyncadd.s32 $0xFFFF9800  }
0x106: {  	[hbm4b:s0+s2] =	stream.linear.scatter [tilespmem:s6], [sflag:$0x5], $0x6800, $0x38;
	[tilespmem:$0x1D400] =	vst v63  }
0x107: {  	_ =	swait.ge [sflag:s4], $0x6800  }
0x108: {  	[sflag:s4] =	ssyncset.done $0x0  }
0x109: {  	[sflag:s4] =	ssyncadd.s32 $0xFFFF9800  }
0x10a: {  	[tilespmem:s7], [sflag:$0x3] =	stream.indirect.gather [hbm4b:s5+s9], $0x20, s16, s9, $0xb8;
	[tilespmem:$0x1D400] =	vst v63  }
0x10b: {  	_ =	swait.ge [sflag:s14], $0x6800  }
0x10c: {  	[sflag:s14] =	ssyncset.done $0x0  }
0x10d: {  	s0 =	rddreg [dreg:$0xf];
	[sflag:s14] =	ssyncadd.s32 $0xFFFF9800  }
0x10e: {  	[hbm4b:s0+s2] =	stream.linear.scatter [tilespmem:s13], [sflag:$0x5], $0x6800, $0x38;
	[tilespmem:$0x1D400] =	vst v63  }
0x10f: {  	_ =	swait.ge [sflag:s4], $0x6800  }
0x110: {  	[sflag:s4] =	ssyncset.done $0x0  }
0x111: {  	[sflag:s4] =	ssyncadd.s32 $0xFFFF9800  }
0x112: {  	[tilespmem:s6], [sflag:$0x4] =	stream.indirect.gather [hbm4b:s5+s9], $0x20, s15, s9, $0xb8;
	[tilespmem:$0x1D400] =	vst v63  }
0x113: {  	_ =	swait.ge [sflag:s12], $0x6800  }
0x114: {  	[sflag:s12] =	ssyncset.done $0x0  }
0x115: {  	s0 =	rddreg [dreg:$0x10];
	[sflag:s12] =	ssyncadd.s32 $0xFFFF9800  }
0x116: {  	[hbm4b:s0+s2] =	stream.linear.scatter [tilespmem:s8], [sflag:$0x5], $0x6800, $0x38;
	[tilespmem:$0x1D400] =	vst v63  }
0x117: {  	_ =	swait.ge [sflag:s11], $0x6800  }
0x118: {  	[sflag:s11] =	ssyncset.done $0x0  }
0x119: {  	s0 =	rddreg [dreg:$0x11];
	[sflag:s11] =	ssyncadd.s32 $0xFFFF9800  }
0x11a: {  	[hbm4b:s0+s2] =	stream.linear.scatter [tilespmem:s7], [sflag:$0x5], $0x6800, $0x38;
	[tilespmem:$0x1D400] =	vst v63  }
0x11b: {  	_ =	swait.ge [sflag:s10], $0x6800  }
0x11c: {  	[sflag:s10] =	ssyncset.done $0x0  }
0x11d: {  	[sflag:s10] =	ssyncadd.s32 $0xFFFF9800  }
0x11e: {  	[hbm4b:s3+s2] =	stream.linear.scatter [tilespmem:s6], [sflag:$0x5], $0x6800, $0x38;
	[tilespmem:$0x1D400] =	vst v63  }
0x11f: {  	_ =	swait.ge [sflag:s4], $0x6800  }
0x120: {  	[sflag:s4] =	ssyncset.done $0x0  }
0x121: {  	[sflag:s4] =	ssyncadd.s32 $0xFFFF9800  }
0x122: {  	_ =	swait.ge [sflag:s4], $0x6800  }
0x123: {  	[sflag:s4] =	ssyncset.done $0x0  }
0x124: {  	p1 =	sne.s32 s1, $0x1;
	[sflag:s4] =	ssyncadd.s32 $0xFFFF9800  }
.Ltmp2:
0x125: {  	_ =	swait.ge [sflag:s4], $0x6800;
	(pc) =	sbr.rel @p1 .LBB2_2-.Ltmp2, $4  }
0x126: {  	[sflag:s4] =	ssyncset.done $0x0  }
0x127: {  	[sflag:s4] =	ssyncadd.s32 $0xFFFF9800  }
0x128: {  	_ =	swait.ge [sflag:s4], $0x6800  }
0x129: {  	s1 =	sadd.s32 $0xFFFFFFFF, s1;
	s0 =	rddreg [dreg:$0x3];
	[sflag:s4] =	ssyncset.done $0x0  }
.LBB2_3:
0x12a: {  	[sflag:s4] =	ssyncadd.s32 @p0 $0xFFFF9800  }
0x12b: {  	[tilespmem:s2], [sflag:$0x6] =	stream.linear.gather [hbm4b:s0+s2], $0x3400, $0x38;
	[tilespmem:$0x1D400] =	vst v63  }
0x12c: {  	_ =	swait.ge [sflag:s30], $0x3400  }
0x12d: {  	[sflag:s30] =	ssyncset.done $0x0  }
0x12e: {  	[sflag:s30] =	ssyncadd.s32 $0xFFFFCC00  }
0x12f: {  	[tilespmem:s13], [sflag:$0x1] =	stream.indirect.gather [hbm4b:s5+s9], $0x20, s2, s9, $0xb8;
	[tilespmem:$0x1D400] =	vst v63  }
0x130: {  	_ = 	snop  }
0x131: {  	[tilespmem:s8], [sflag:$0x2] =	stream.indirect.gather [hbm4b:s5+s9], $0x20, s9, s9, $0xb8;
	[tilespmem:$0x1D400] =	vst v63  }
0x132: {  	_ = 	snop  }
0x133: {  	[tilespmem:s7], [sflag:$0x3] =	stream.indirect.gather [hbm4b:s5+s9], $0x20, s31, s9, $0xb8;
	[tilespmem:$0x1D400] =	vst v63  }
0x134: {  	_ =	swait.ge [sflag:s14], $0x6800  }
0x135: {  	[sflag:s14] =	ssyncset.done $0x0  }
0x136: {  	[sflag:s14] =	ssyncadd.s32 $0xFFFF9800  }
0x137: {  	[hbm4b:s21+s2] =	stream.linear.scatter [tilespmem:s13], [sflag:$0x5], $0x6800, $0x38;
	[tilespmem:$0x1D400] =	vst v63  }
0x138: {  	_ = 	snop  }
0x139: {  	[tilespmem:s6], [sflag:$0x4] =	stream.indirect.gather [hbm4b:s5+s9], $0x20, s29, s9, $0xb8;
	[tilespmem:$0x1D400] =	vst v63  }
0x13a: {  	_ =	swait.ge [sflag:s12], $0x6800  }
0x13b: {  	[sflag:s12] =	ssyncset.done $0x0  }
0x13c: {  	s21 =	rddreg [dreg:$0x4];
	[sflag:s12] =	ssyncadd.s32 $0xFFFF9800  }
0x13d: {  	[hbm4b:s21+s2] =	stream.linear.scatter [tilespmem:s8], [sflag:$0x5], $0x6800, $0x38;
	[tilespmem:$0x1D400] =	vst v63  }
0x13e: {  	_ =	swait.ge [sflag:s4], $0x6800  }
0x13f: {  	[sflag:s4] =	ssyncset.done $0x0  }
0x140: {  	[sflag:s4] =	ssyncadd.s32 $0xFFFF9800  }
0x141: {  	[tilespmem:s13], [sflag:$0x1] =	stream.indirect.gather [hbm4b:s5+s9], $0x20, s28, s9, $0xb8;
	[tilespmem:$0x1D400] =	vst v63  }
0x142: {  	_ =	swait.ge [sflag:s11], $0x6800  }
0x143: {  	[sflag:s11] =	ssyncset.done $0x0  }
0x144: {  	s29 =	rddreg [dreg:$0x5];
	[sflag:s11] =	ssyncadd.s32 $0xFFFF9800  }
0x145: {  	[hbm4b:s29+s2] =	stream.linear.scatter [tilespmem:s7], [sflag:$0x5], $0x6800, $0x38;
	[tilespmem:$0x1D400] =	vst v63  }
0x146: {  	_ =	swait.ge [sflag:s4], $0x6800  }
0x147: {  	[sflag:s4] =	ssyncset.done $0x0  }
0x148: {  	[sflag:s4] =	ssyncadd.s32 $0xFFFF9800  }
0x149: {  	[tilespmem:s8], [sflag:$0x2] =	stream.indirect.gather [hbm4b:s5+s9], $0x20, s26, s9, $0xb8;
	[tilespmem:$0x1D400] =	vst v63  }
0x14a: {  	_ =	swait.ge [sflag:s10], $0x6800  }
0x14b: {  	[sflag:s10] =	ssyncset.done $0x0  }
0x14c: {  	s30 =	rddreg [dreg:$0x6];
	[sflag:s10] =	ssyncadd.s32 $0xFFFF9800  }
0x14d: {  	[hbm4b:s30+s2] =	stream.linear.scatter [tilespmem:s6], [sflag:$0x5], $0x6800, $0x38;
	[tilespmem:$0x1D400] =	vst v63  }
0x14e: {  	_ =	swait.ge [sflag:s4], $0x6800  }
0x14f: {  	[sflag:s4] =	ssyncset.done $0x0  }
0x150: {  	[sflag:s4] =	ssyncadd.s32 $0xFFFF9800  }
0x151: {  	[tilespmem:s7], [sflag:$0x3] =	stream.indirect.gather [hbm4b:s5+s9], $0x20, s25, s9, $0xb8;
	[tilespmem:$0x1D400] =	vst v63  }
0x152: {  	_ =	swait.ge [sflag:s14], $0x6800  }
0x153: {  	[sflag:s14] =	ssyncset.done $0x0  }
0x154: {  	s31 =	rddreg [dreg:$0x7];
	[sflag:s14] =	ssyncadd.s32 $0xFFFF9800  }
0x155: {  	[hbm4b:s31+s2] =	stream.linear.scatter [tilespmem:s13], [sflag:$0x5], $0x6800, $0x38;
	[tilespmem:$0x1D400] =	vst v63  }
0x156: {  	_ =	swait.ge [sflag:s4], $0x6800  }
0x157: {  	[sflag:s4] =	ssyncset.done $0x0  }
0x158: {  	[sflag:s4] =	ssyncadd.s32 $0xFFFF9800  }
0x159: {  	[tilespmem:s6], [sflag:$0x4] =	stream.indirect.gather [hbm4b:s5+s9], $0x20, s24, s9, $0xb8;
	[tilespmem:$0x1D400] =	vst v63  }
0x15a: {  	_ =	swait.ge [sflag:s12], $0x6800  }
0x15b: {  	[sflag:s12] =	ssyncset.done $0x0  }
0x15c: {  	s1 =	rddreg [dreg:$0x8];
	[sflag:s12] =	ssyncadd.s32 $0xFFFF9800  }
0x15d: {  	[hbm4b:s1+s2] =	stream.linear.scatter [tilespmem:s8], [sflag:$0x5], $0x6800, $0x38;
	[tilespmem:$0x1D400] =	vst v63  }
0x15e: {  	_ =	swait.ge [sflag:s4], $0x6800  }
0x15f: {  	[sflag:s4] =	ssyncset.done $0x0  }
0x160: {  	[sflag:s4] =	ssyncadd.s32 $0xFFFF9800  }
0x161: {  	[tilespmem:s13], [sflag:$0x1] =	stream.indirect.gather [hbm4b:s5+s9], $0x20, s23, s9, $0xb8;
	[tilespmem:$0x1D400] =	vst v63  }
0x162: {  	_ =	swait.ge [sflag:s11], $0x6800  }
0x163: {  	[sflag:s11] =	ssyncset.done $0x0  }
0x164: {  	s21 =	rddreg [dreg:$0x9];
	[sflag:s11] =	ssyncadd.s32 $0xFFFF9800  }
0x165: {  	[hbm4b:s21+s2] =	stream.linear.scatter [tilespmem:s7], [sflag:$0x5], $0x6800, $0x38;
	[tilespmem:$0x1D400] =	vst v63  }
0x166: {  	_ =	swait.ge [sflag:s4], $0x6800  }
0x167: {  	[sflag:s4] =	ssyncset.done $0x0  }
0x168: {  	[sflag:s4] =	ssyncadd.s32 $0xFFFF9800  }
0x169: {  	[tilespmem:s8], [sflag:$0x2] =	stream.indirect.gather [hbm4b:s5+s9], $0x20, s22, s9, $0xb8;
	[tilespmem:$0x1D400] =	vst v63  }
0x16a: {  	_ =	swait.ge [sflag:s10], $0x6800  }
0x16b: {  	[sflag:s10] =	ssyncset.done $0x0  }
0x16c: {  	s22 =	rddreg [dreg:$0xa];
	[sflag:s10] =	ssyncadd.s32 $0xFFFF9800  }
0x16d: {  	[hbm4b:s22+s2] =	stream.linear.scatter [tilespmem:s6], [sflag:$0x5], $0x6800, $0x38;
	[tilespmem:$0x1D400] =	vst v63  }
0x16e: {  	_ =	swait.ge [sflag:s4], $0x6800  }
0x16f: {  	[sflag:s4] =	ssyncset.done $0x0  }
0x170: {  	[sflag:s4] =	ssyncadd.s32 $0xFFFF9800  }
0x171: {  	[tilespmem:s7], [sflag:$0x3] =	stream.indirect.gather [hbm4b:s5+s9], $0x20, s20, s9, $0xb8;
	[tilespmem:$0x1D400] =	vst v63  }
0x172: {  	_ =	swait.ge [sflag:s14], $0x6800  }
0x173: {  	[sflag:s14] =	ssyncset.done $0x0  }
0x174: {  	s23 =	rddreg [dreg:$0xb];
	[sflag:s14] =	ssyncadd.s32 $0xFFFF9800  }
0x175: {  	[hbm4b:s23+s2] =	stream.linear.scatter [tilespmem:s13], [sflag:$0x5], $0x6800, $0x38;
	[tilespmem:$0x1D400] =	vst v63  }
0x176: {  	_ =	swait.ge [sflag:s4], $0x6800  }
0x177: {  	[sflag:s4] =	ssyncset.done $0x0  }
0x178: {  	[sflag:s4] =	ssyncadd.s32 $0xFFFF9800  }
0x179: {  	[tilespmem:s6], [sflag:$0x4] =	stream.indirect.gather [hbm4b:s5+s9], $0x20, s19, s9, $0xb8;
	[tilespmem:$0x1D400] =	vst v63  }
0x17a: {  	_ =	swait.ge [sflag:s12], $0x6800  }
0x17b: {  	[sflag:s12] =	ssyncset.done $0x0  }
0x17c: {  	s24 =	rddreg [dreg:$0xc];
	[sflag:s12] =	ssyncadd.s32 $0xFFFF9800  }
0x17d: {  	[hbm4b:s24+s2] =	stream.linear.scatter [tilespmem:s8], [sflag:$0x5], $0x6800, $0x38;
	[tilespmem:$0x1D400] =	vst v63  }
0x17e: {  	_ =	swait.ge [sflag:s4], $0x6800  }
0x17f: {  	[sflag:s4] =	ssyncset.done $0x0  }
0x180: {  	[sflag:s4] =	ssyncadd.s32 $0xFFFF9800  }
0x181: {  	[tilespmem:s13], [sflag:$0x1] =	stream.indirect.gather [hbm4b:s5+s9], $0x20, s18, s9, $0xb8;
	[tilespmem:$0x1D400] =	vst v63  }
0x182: {  	_ =	swait.ge [sflag:s11], $0x6800  }
0x183: {  	[sflag:s11] =	ssyncset.done $0x0  }
0x184: {  	s25 =	rddreg [dreg:$0xd];
	[sflag:s11] =	ssyncadd.s32 $0xFFFF9800  }
0x185: {  	[hbm4b:s25+s2] =	stream.linear.scatter [tilespmem:s7], [sflag:$0x5], $0x6800, $0x38;
	[tilespmem:$0x1D400] =	vst v63  }
0x186: {  	_ =	swait.ge [sflag:s4], $0x6800  }
0x187: {  	[sflag:s4] =	ssyncset.done $0x0  }
0x188: {  	[sflag:s4] =	ssyncadd.s32 $0xFFFF9800  }
0x189: {  	[tilespmem:s8], [sflag:$0x2] =	stream.indirect.gather [hbm4b:s5+s9], $0x20, s17, s9, $0xb8;
	[tilespmem:$0x1D400] =	vst v63  }
0x18a: {  	_ =	swait.ge [sflag:s10], $0x6800  }
0x18b: {  	[sflag:s10] =	ssyncset.done $0x0  }
0x18c: {  	s26 =	rddreg [dreg:$0xe];
	[sflag:s10] =	ssyncadd.s32 $0xFFFF9800  }
0x18d: {  	[hbm4b:s26+s2] =	stream.linear.scatter [tilespmem:s6], [sflag:$0x5], $0x6800, $0x38;
	[tilespmem:$0x1D400] =	vst v63  }
0x18e: {  	_ =	swait.ge [sflag:s4], $0x6800  }
0x18f: {  	[sflag:s4] =	ssyncset.done $0x0  }
0x190: {  	[sflag:s4] =	ssyncadd.s32 $0xFFFF9800  }
0x191: {  	[tilespmem:s7], [sflag:$0x3] =	stream.indirect.gather [hbm4b:s5+s9], $0x20, s16, s9, $0xb8;
	[tilespmem:$0x1D400] =	vst v63  }
0x192: {  	_ =	swait.ge [sflag:s14], $0x6800  }
0x193: {  	[sflag:s14] =	ssyncset.done $0x0  }
0x194: {  	s28 =	rddreg [dreg:$0xf];
	[sflag:s14] =	ssyncadd.s32 $0xFFFF9800  }
0x195: {  	[hbm4b:s28+s2] =	stream.linear.scatter [tilespmem:s13], [sflag:$0x5], $0x6800, $0x38;
	[tilespmem:$0x1D400] =	vst v63  }
0x196: {  	_ =	swait.ge [sflag:s4], $0x6800  }
0x197: {  	[sflag:s4] =	ssyncset.done $0x0  }
0x198: {  	[sflag:s4] =	ssyncadd.s32 $0xFFFF9800  }
0x199: {  	[tilespmem:s6], [sflag:$0x4] =	stream.indirect.gather [hbm4b:s5+s9], $0x20, s15, s9, $0xb8;
	[tilespmem:$0x1D400] =	vst v63  }
0x19a: {  	_ =	swait.ge [sflag:s12], $0x6800  }
0x19b: {  	[sflag:s12] =	ssyncset.done $0x0  }
0x19c: {  	s29 =	rddreg [dreg:$0x10];
	[sflag:s12] =	ssyncadd.s32 $0xFFFF9800  }
0x19d: {  	[hbm4b:s29+s2] =	stream.linear.scatter [tilespmem:s8], [sflag:$0x5], $0x6800, $0x38;
	[tilespmem:$0x1D400] =	vst v63  }
0x19e: {  	_ =	swait.ge [sflag:s11], $0x6800  }
0x19f: {  	[sflag:s11] =	ssyncset.done $0x0  }
0x1a0: {  	s30 =	rddreg [dreg:$0x11];
	[sflag:s11] =	ssyncadd.s32 $0xFFFF9800  }
0x1a1: {  	[hbm4b:s30+s2] =	stream.linear.scatter [tilespmem:s7], [sflag:$0x5], $0x6800, $0x38;
	[tilespmem:$0x1D400] =	vst v63  }
0x1a2: {  	_ =	swait.ge [sflag:s10], $0x6800  }
0x1a3: {  	[sflag:s10] =	ssyncset.done $0x0  }
0x1a4: {  	[sflag:s10] =	ssyncadd.s32 $0xFFFF9800  }
0x1a5: {  	[hbm4b:s3+s2] =	stream.linear.scatter [tilespmem:s6], [sflag:$0x5], $0x6800, $0x38;
	[tilespmem:$0x1D400] =	vst v63  }
0x1a6: {  	_ =	swait.ge [sflag:s4], $0x6800  }
0x1a7: {  	[sflag:s4] =	ssyncset.done $0x0  }
0x1a8: {  	[sflag:s4] =	ssyncadd.s32 $0xFFFF9800  }
0x1a9: {  	_ =	swait.ge [sflag:s4], $0x6800  }
0x1aa: {  	[sflag:s4] =	ssyncset.done $0x0  }
0x1ab: {  	[sflag:s4] =	ssyncadd.s32 $0xFFFF9800  }
0x1ac: {  	_ =	swait.ge [sflag:s4], $0x6800  }
0x1ad: {  	[sflag:s4] =	ssyncset.done $0x0  }
0x1ae: {  	[sflag:s4] =	ssyncadd.s32 $0xFFFF9800  }
0x1af: {  	_ =	swait.ge [sflag:s4], $0x6800  }
0x1b0: {  	[sflag:s4] =	ssyncset.done $0x0  }
0x1b1: {  	[sflag:s4] =	ssyncadd.s32 $0xFFFF9800  }
0x1b2: {  	_ =	sfence.sel $0x180000  }
0x1b3: {  	[bflag:$0x0] =	sbarrier.arrive $0xFFFF  }
0x1b4: {  	_ =	strace $0x90000047  }
0x1b5: {  	s31 =	stileid.u32;
	[bflag:$0x2] =	sbarrier.arrive $0xFFFF  }
0x1b6: {  	p0 =	sne.s32 s31, $0x0;
	s0 =	rddreg [dreg:$0x2]  }
0x1b7: {  	s0 =	sadd.s32 @!p0 $0x100000, s0  }
0x1b8: {  	[sflag:s0] =	ssyncadd.tile.s32 @!p0 $0x1;
	_ =	shalt  }
.Lfunc_end2:
_tile_overlayer_lowered:
.L_overlay_start_2:
0x1b9: {  	(tag) =	ssettag $0x2  }
0x1ba: {  	s0 =	rddreg [dreg:$0x0];
	s2 =	stileid.u32  }
0x1bb: {  	s1 =	rddreg [dreg:$0x1];
	p0 =	sne.s32 s2, $0x0  }
0x1bc: {  	s3 =	rddreg [dreg:$0x2];
	[bflag:$0x3] =	sbarrier.arrive $0xFFFF;
	s2 =	simm.s32 @!p0 $0x1C06  }
0x1bd: {  	[timem:s3], [sflag:s2] =	dma.local @!p0 [hbm:s0], s1  }
0x1be: {  	s0 =	simm.s32 @!p0 $0x6  }
0x1bf: {  	_ =	swait.ge @!p0 [sflag:s0], s1  }
0x1c0: {  	s1 =	ssub.s32 @!p0 $0x0, s1;
	[sflag:s0] =	ssyncset.done @!p0 $0x0  }
0x1c1: {  	[sflag:s0] =	ssyncadd.s32 @!p0 s1  }
0x1c2: {  	[bflag:$0x3] =	sbarrier.arrive $0xFFFF  }
0x1c3: {  	_ =	shalt  }

// kernel: sparse-core-data-format-call.cloned.1.call-start
scs
called_computation_lowered:
.L_overlay_start_0:
0x0: {  	s2 =	sld [smem:$0x3FD9]  }
0x1: {  	s3 =	sld [smem:$0x3FFE];
	_ =	sdelay $0x1  }
0x2: {  	s1 =	srdreg.scid  }
0x3: {  	s0 =	sand.u32 $0x1, s1  }
0x4: {  	s18 =	sshll.u32 s0, $0xA;
	s2 =	sadd.s32 s3, s2  }
0x5: {  	s2 =	sadd.s32 s2, s18  }
0x6: {  	[smem:$0x3FC6] =	sst s2  }
0x7: {  	_ = 	snop  }
0x8: {  	s2 =	sld [smem:$0x3FD0];
	(tm) =	ssettm $0x1  }
0x9: {  	s19 =	sld [smem:$0x3FFB];
	_ =	sdelay $0x3  }
0xa: {  	_ =	strace s19  }
0xb: {  	s3 =	sld [smem:$0x3FFC];
	_ =	sdelay $0x3  }
0xc: {  	_ =	strace s3  }
0xd: {  	s3 =	sld [smem:$0x3FFD];
	_ =	sdelay $0x3  }
0xe: {  	_ =	strace s3  }
0xf: {  	_ =	strace $0x8FFFFFFF  }
0x10: {  	s20 =	sld [smem:$0x3FDB];
	_ =	sdelay $0x1  }
0x11: {  	s4 =	simm.s32 $_scs_section_size  }
0x12: {  	s5 =	simm.s32 $_size__tile_overlayer_lowered;
	s6 =	simm.s32 $_tile_overlayer_lowered  }
0x13: {  	s23 =	simm.s32 $0x1BFF;
	s22 =	sshll.u32 s6, $0x1;
	s3 =	sadd.s32 s4, s20  }
0x14: {  	s7 =	simm.s32 $0x0;
	s21 =	sshll.u32 s5, $0x1;
	s5 =	sadd.s32 s22, s3  }
0x15: {  	[timem:s7], [sflag:s23] =	dma.local [hbm:s5], s21  }
0x16: {  	_ =	swait.ge [sflag:s23], s21  }
0x17: {  	s4 =	ssub.s32 $0x0, s21;
	[sflag:s23] =	ssyncset.done $0x0  }
0x18: {  	[sflag:s23] =	ssyncadd.s32 s4;
	_ =	sdelay $0x1  }
0x19: {  	s24 =	simm.s32 $0x1B8B  }
0x1a: {  	_ =	swait.ge [sflag:s24], $0x1  }
0x1b: {  	[sflag:s24] =	ssyncset.done $0x0  }
0x1c: {  	s26 =	simm.s32 $0x1B8E;
	s25 =	sld [smem:$0x3FFE];
	[sflag:s24] =	ssyncadd.s32 $0xFFFFFFFF  }
0x1d: {  	s27 =	simm.s32 $execute0_lowered;
	[smem:$0x3FD2] =	sst s26  }
0x1e: {  	s5 =	sshll.u32 s27, $0x1;
	_ =	strace $0x80000049;
	[dreg:$0x1] =	wrdreg $0xFFFFFFFF  }
0x1f: {  	s28 =	simm.s32 $_size_execute0_lowered;
	s3 =	sadd.s32 s3, s5;
	[dreg:$0x0] =	wrdreg $0x0  }
0x20: {  	s5 =	sshll.u32 s28, $0x1;
	[dreg:$0x2] =	wrdreg s3  }
0x21: {  	[dreg:$0x3] =	wrdreg s5  }
0x22: {  	[dreg:$0x4] =	wrdreg $0xC0  }
0x23: {  	_ =	task [dreg:s7], $0x5FFFF  }
0x24: {  	[dreg:$0x1] =	wrdreg $0xFFFFFFFF  }
0x25: {  	[dreg:$0x0] =	wrdreg $0x60  }
0x26: {  	[dreg:$0x2] =	wrdreg s25  }
0x27: {  	[dreg:$0x3] =	wrdreg s2  }
0x28: {  	[dreg:$0x4] =	wrdreg $0x9  }
0x29: {  	_ =	task.clear_ibuf [dreg:s7], $0x5FFFF;
	_ =	strace $0x90000049  }
0x2a: {  	s29 =	simm.s32 $0x9;
	_ =	strace $0x8000004B  }
0x2b: {  	_ =	swait.ge [sflag:s29], $0x1  }
0x2c: {  	[sflag:s29] =	ssyncadd.s32 $0xFFFFFFFF  }
0x2d: {  	_ =	strace $0x9000004B  }
0x2e: {  	_ =	sfence  }
0x2f: {  	s30 =	sld [smem:$0x0];
	_ =	sdelay $0x2  }
0x30: {  	s31 =	sshll.u32 s1, $0xD;
	s1 =	sshrl.u32 s1, $0x2  }
0x31: {  	s3 =	sand.u32 $0x4000, s31;
	s1 =	sadd.s32 s1, s30  }
0x32: {  	s0 =	sor.u32 s3, s0;
	s1 =	sshll.u32 s1, $0x11  }
0x33: {  	s0 =	sor.u32 s1, s0  }
0x34: {  	s0 =	sadd.s32 $0x8F2B, s0  }
0x35: {  	[sflag:s0] =	ssyncadd.remote.s32 $0x1  }
0x36: {  	_ =	sfence.sel $0xFFFF  }
0x37: {  	[dreg:$0x0] =	wrdreg $0xFFFFFFFF;
	(pc) =	sbr.abs _section_cstart, $3  }
0x38: {  	[dreg:$0x1] =	wrdreg $0xFFFFFFFF  }
0x39: {  	_ =	task.clear_ibuf [dreg:s7], $0x2FFFF;
	_ =	strace $0x9FFFFFFF  }
0x3a: {  	(tm) =	ssettm $0x7FFFFFFF  }
0x3b: {  	_ =	shalt  }
tec
execute0_lowered:
.L_overlay_start_1:
0x0: {  	(tag) =	ssettag $0x1  }
0x1: {  	s0 =	srdreg.scid  }
0x2: {  	s1 =	sshll.u32 s0, $0x4  }
0x3: {  	s0 =	stileid.u32;
	s1 =	sand.u32 $0x10, s1  }
0x4: {  	s1 =	sor.u32 s0, s1  }
0x5: {  	s6 =	rddreg [dreg:$0x0];
	s4 =	simm.s32 $0x1;
	s2 =	sshll.u32 s1, $0x7  }
0x6: {  	s7 =	simm.s32 $0x2;
	s12 =	simm.s32 $0x0;
	s1 =	ssub.s32 $0x4000, s2  }
0x7: {  	s8 =	simm.s32 $0x20000;
	s13 =	simm.s32 $0x0;
	s3 =	sand.u32 $0xF80, s1  }
0x8: {  	s9 =	simm.s32 $0x0;
	s5 =	sshrl.u32 s1, $0xC;
	p0 =	sne.s32 s3, $0x0  }
.Ltmp0:
0x9: {  	s1 =	rddreg [dreg:$0x2];
	s4 =	simm.s32 @!p0 $0x0;
	(pc) =	sbr.rel .LBB1_1-.Ltmp0, $4  }
0xa: {  	s11 =	simm.s32 $0x0;
	s3 =	rddreg [dreg:$0x1];
	s5 =	sadd.s32 s4, s5  }
0xb: {  	_ =	strace $0x8000004A;
	s4 =	simm.s32 $0x1;
	s5 =	smul.u32 $0x1A, s5  }
0xc: {  	s6 =	sadd.s32 $0xA00, s6;
	s10 =	smov.u32 s2;
	[sflag:s4] =	ssyncpa.u1 $0x0  }
0xd: {  	p0 =	por $0x0, $0x0;
	[sflag:s7] =	ssyncpa.u1 $0x0;
	s7 =	sor.u32 $0x1, s5  }
.LBB1_4:
0xe: {  	s16 =	sshll.u32 s13, $0x3;
	s17 =	sand.u32 $0x78, s13  }
0xf: {  	s30 =	sand.u32 $0xF800, s13;
	s12 =	sshll.u32 s12, $0x10;
	s16 =	sand.u32 $0x3C00, s16  }
0x10: {  	s31 =	sand.u32 $0x7, s13;
	s16 =	sor.u32 s17, s16;
	s17 =	sadd.s32 s3, s30  }
0x11: {  	s13 =	sshll.u32 s31, $0x12;
	s16 =	sshrl.u32 s16, $0x3;
	s12 =	sadd.s32 s12, s17  }
0x12: {  	[tilespmem:s15+$0x0 ss:$0x81] =	vst.msk $0xffff, v0;
	s13 =	sor.u32 $0x400, s13;
	s12 =	sadd.s32 s16, s12  }
0x13: {  	[hbm4b:s12+s13] =	stream.strided.scatter [tilespmem:s14], [sflag:$0x2], $0x1000, s8, s13, $0x20;
	[tilespmem:$0x4040] =	vst v63  }
.LBB1_5:
0x14: {  	s14 =	sadd.s32 $0x1, s9  }
0x15: {  	s12 =	sadd.s32 $0x1000, s10;
	s16 =	smov.u32 s10;
	p2 =	sgt.s32 s14, $0x19  }
0x16: {  	s16 =	smov.u32 @p2 s12  }
0x17: {  	s14 =	simm.s32 @p2 $0x0;
	p2 =	sgt.s32 s16, $0x3FFF  }
0x18: {  	s16 =	smov.u32 @p2 s2;
	p2 =	sne.s32 s11, s7  }
.Ltmp1:
0x19: {  	p1 =	slt.u32 s11, $0x2;
	(pc) =	sbr.rel @!p2 .LBB1_6-.Ltmp1, $4  }
0x1a: {  	s15 =	simm.s32 @!p1 $0x2  }
0x1b: {  	s13 =	smov.u32 s10;
	p0 =	por !p0, !p0;
	_ =	swait.ge @!p1 [sflag:s15], $0x1000  }
0x1c: {  	s12 =	smov.u32 s9;
	[sflag:s15] =	ssyncset.done @!p1 $0x0;
	s9 =	smov.u32 s14  }
0x1d: {  	s11 =	sadd.s32 $0x1, s11;
	[sflag:s15] =	ssyncadd.s32 @!p1 $0xFFFFF000;
	s10 =	smov.u32 s16  }
.LBB1_1:
0x1e: {  	p1 =	sge.u32 s11, s5  }
0x1f: {  	s31 =	sadd.s32 $0xFFFFFFFF, s11;
	s14 =	sxor.u32 @!p1 $0xFFFFFFFF, s11  }
0x20: {  	s15 =	sshll.u32 @!p1 s10, $0x9;
	s16 =	sshll.u32 @!p1 s9, $0x4;
	s17 =	simm.s32 @!p1 $0x1000  }
0x21: {  	s14 =	sshll.u32 @!p1 s14, $0xC;
	s16 =	sand.u32 @!p1 $0x1F0, s16;
	s15 =	sadd.s32 @!p1 s6, s15  }
0x22: {  	s14 =	sand.u32 @!p1 $0x1000, s14;
	s15 =	sadd.s32 @!p1 s16, s15;
	s16 =	simm.s32 @!p1 $0x20  }
0x23: {  	[tilespmem:s14], [sflag:$0x1] =	stream.strided.gather @!p1 [hbm4b:s15+s16], $0x1000, s17, s16, $0x38;
	[tilespmem:$0x4040] =	vst v63  }
0x24: {  	p1 =	sge.u32 s31, s5  }
.Ltmp2:
0x25: {  	_ = 	snop;
	(pc) =	sbr.rel @p1 .LBB1_5-.Ltmp2, $1  }
0x26: {  	_ =	sdelay $0x3  }
0x27: {  	s14 =	simm.s32 $0x1  }
0x28: {  	_ =	swait.ge [sflag:s4], $0x1000;
	s14 =	simm.s32 @!p0 $0x0  }
0x29: {  	[sflag:s4] =	ssyncset.done $0x0;
	s15 =	sshll.u32 s14, $0xC  }
0x2a: {  	[sflag:s4] =	ssyncadd.s32 $0xFFFFF000;
	s18 =	sor.u32 $0x10, s15  }
0x2b: {  	s14 =	smul.u32 $0x4080, s14;
	v1 =	vld [tilespmem:s18+$0x0]  }
0x2c: {  	s30 =	sand.u32 $0x1, s11;
	v0 =	vld [tilespmem:s18+$0xFFFFFFF0]  }
0x2d: {  	s15 =	smul.u32 $0x4080, s30;
	s14 =	sshrl.u32 s14, $0x2  }
0x2e: {  	s16 =	sor.u32 $0x2000, s14  }
0x2f: {  	s31 =	sshrl.u32 s15, $0x2;
	s15 =	sadd.s32 $0x0, s16  }
0x30: {  	s17 =	simm.s32 $0x4;
	s18 =	sadd.s32 $0x20, s18;
	s14 =	sor.u32 $0x2000, s31;
	[tilespmem:s15+$0x810 ss:$0x81] =	vst.msk $0xffff, v1  }
.LBB1_3:
0x31: {  	v1 =	vld [tilespmem:s18+$0x0];
	p1 =	sne.s32 s17, $0x1FC;
	[tilespmem:s15+$0x0 ss:$0x81] =	vst.msk $0xffff, v0;
	s15 =	smov.u32 s17;
	s17 =	sadd.s32 $0x4, s17  }
.Ltmp3:
0x32: {  	v0 =	vld [tilespmem:s18+$0xFFFFFFF0];
	(pc) =	sbr.rel @p1 .LBB1_3-.Ltmp3, $4  }
0x33: {  	_ = 	snop  }
0x34: {  	s15 =	sshra.s32 s15, $0x2  }
0x35: {  	s15 =	sadd.s32 s15, s16  }
0x36: {  	s18 =	sadd.s32 $0x20, s18;
	[tilespmem:s15+$0x810 ss:$0x81] =	vst.msk $0xffff, v1  }
.Ltmp4:
0x37: {  	_ = 	snop;
	(pc) =	sbr.rel .LBB1_4-.Ltmp4, $1  }
0x38: {  	_ =	sdelay $0x3  }
.LBB1_6:
0x39: {  	_ =	sfence.sel $0x180000  }
0x3a: {  	s2 =	simm.s32 $0x1;
	[bflag:$0x0] =	sbarrier.arrive $0xFFFF  }
0x3b: {  	s31 =	simm.s32 $0x2;
	[sflag:s2] =	ssyncpa.u1 $0x1  }
0x3c: {  	[sflag:s31] =	ssyncpa.u1 $0x1  }
0x3d: {  	p0 =	sne.s32 s0, $0x0;
	_ =	strace $0x9000004A  }
0x3e: {  	s0 =	sadd.s32 @!p0 $0x100000, s1;
	[bflag:$0x2] =	sbarrier.arrive $0xFFFF  }
0x3f: {  	[sflag:s0] =	ssyncadd.tile.s32 @!p0 $0x1;
	_ =	shalt  }
.Lfunc_end1:
_tile_overlayer_lowered:
.L_overlay_start_2:
0x40: {  	(tag) =	ssettag $0x2  }
0x41: {  	s0 =	rddreg [dreg:$0x0];
	s2 =	stileid.u32  }
0x42: {  	s1 =	rddreg [dreg:$0x1];
	p0 =	sne.s32 s2, $0x0  }
0x43: {  	s3 =	rddreg [dreg:$0x2];
	[bflag:$0x3] =	sbarrier.arrive $0xFFFF;
	s2 =	simm.s32 @!p0 $0x1C01  }
0x44: {  	[timem:s3], [sflag:s2] =	dma.local @!p0 [hbm:s0], s1  }
0x45: {  	s0 =	simm.s32 @!p0 $0x1  }
0x46: {  	_ =	swait.ge @!p0 [sflag:s0], s1  }
0x47: {  	s1 =	ssub.s32 @!p0 $0x0, s1;
	[sflag:s0] =	ssyncset.done @!p0 $0x0  }
0x48: {  	[sflag:s0] =	ssyncadd.s32 @!p0 s1  }
0x49: {  	[bflag:$0x3] =	sbarrier.arrive $0xFFFF  }
0x4a: {  	_ =	shalt  }

</sc_bundles>
